<compile_context>
chip_gen: v7x
topology: tpu7x:2x2x1
jax: 0.10.2.dev20260603
libtpu: 0.0.44.dev20260713+nightly
codegen_flags: <defaults>
</compile_context>

<pallas_src>
import jax
import jax.numpy as jnp
from jax import lax
from jax.experimental import pallas as pl
from jax.experimental.pallas import tpu as pltpu
from jax.experimental.pallas import tpu_sc as plsc

VOCAB = 1000
EMBED = 16
BITS = 32
BATCH = 1024
OUT_COLS = EMBED * BITS
SLICE = 128
NSLICE = VOCAB * EMBED // SLICE
NC = 2
NS = 16
L = 16
NW = NC * NS
B_PER_W = BATCH // NW

_ONE_F32_BITS = 0x3F800000


def _sc_body(ids_hbm, table_hbm, out_hbm, idx_v, slice_v, rows_v, outbuf_v, sem):
    wid = lax.axis_index("s") * NC + lax.axis_index("c")
    base = wid * B_PER_W
    pltpu.sync_copy(ids_hbm.at[pl.ds(base, B_PER_W)], idx_v)

    lanes = lax.iota(jnp.int32, L)
    for g in range(B_PER_W // L):
        ids16 = idx_v[pl.ds(g * L, L)]
        slice_v[pl.ds(g * L, L)] = ids16 >> 3
    pltpu.async_copy(table_hbm.at[slice_v], rows_v, sem).wait()

    plsc.subcore_barrier()

    sh_hi = lanes
    sh_lo = lanes + L
    one_bits = jnp.full((L,), _ONE_F32_BITS, jnp.int32)

    @plsc.parallel_loop(
        jnp.int32(0), jnp.int32(B_PER_W), step=jnp.int32(1), unroll=4
    )
    def token_body(t):
        t_vec = jnp.full((L,), t, jnp.int32)
        tok = plsc.load_gather(idx_v, [t_vec])
        row = plsc.bitcast(
            plsc.load_gather(rows_v, [t_vec, (tok & 7) * EMBED + lanes]),
            jnp.int32,
        )
        for e in range(EMBED):
            v = row.at[jnp.full((L,), e, jnp.int32)].get(mode="promise_in_bounds")
            hi = ((v << sh_hi) >> 31) & one_bits
            lo = ((v << sh_lo) >> 31) & one_bits
            outbuf_v[t, pl.ds(e * BITS, L)] = plsc.bitcast(hi, jnp.float32)
            outbuf_v[t, pl.ds(e * BITS + L, L)] = plsc.bitcast(lo, jnp.float32)

    pltpu.sync_copy(outbuf_v, out_hbm.at[pl.ds(base, B_PER_W)])


def _build():
    mesh = plsc.VectorSubcoreMesh(core_axis_name="c", subcore_axis_name="s")
    return pl.kernel(
        _sc_body,
        out_type=jax.ShapeDtypeStruct((BATCH, OUT_COLS), jnp.float32),
        mesh=mesh,
        scratch_types=[
            pltpu.VMEM((B_PER_W,), jnp.int32),
            pltpu.VMEM((B_PER_W,), jnp.int32),
            pltpu.VMEM((B_PER_W, SLICE), jnp.float32),
            pltpu.VMEM((B_PER_W, OUT_COLS), jnp.float32),
            pltpu.SemaphoreType.DMA,
        ],
        compiler_params=pltpu.CompilerParams(
            needs_layout_passes=False,
            disable_bounds_checks=True,
        ),
    )


def kernel(token_ids, weight_float):
    ids32 = token_ids.astype(jnp.int32)
    out = _build()(ids32, weight_float.reshape(NSLICE, SLICE))
    return out.reshape(BATCH, EMBED, BITS)

# --- scband reference (transcript-rebuilt; emitter-appended) ---
"""Pipeline reference for scband-spike-fp32-embedding-76312978916091 (READ-ONLY COPY).

The authoritative reference and input builder live on the scoring server;
editing this copy changes nothing except your own understanding.
"""

import jax
jax.config.update('jax_enable_x64', True)
import jax.numpy as jnp
import numpy as np
import math

VOCAB = 1000
EMBED = 16
ADDR_BITS = math.ceil(math.log2(VOCAB))  # 10
PADDED = 2 ** ADDR_BITS  # 1024
BATCH = 1024


def float_to_fp32_pulse(x):
    # float32 -> 32 bit pulses, MSB first
    bits = jax.lax.bitcast_convert_type(x.astype(jnp.float32), jnp.int32)
    pulses = [((bits >> i) & 1).astype(jnp.float32) for i in range(31, -1, -1)]
    return jnp.stack(pulses, axis=-1)


def int_to_binary_pulse(x, addr_bits):
    # int -> addr_bits binary pulses, MSB first
    bits = [((x >> i) & 1).astype(jnp.float32) for i in range(addr_bits - 1, -1, -1)]
    return jnp.stack(bits, axis=-1)


def setup_inputs(seed: int = 0) -> dict:
    key = jax.random.key(seed)
    k1, k2 = jax.random.split(key)
    token_ids = jax.random.randint(k1, (BATCH,), 0, VOCAB, dtype=jnp.int64)
    weight_float = jax.random.normal(k2, (VOCAB, EMBED), dtype=jnp.float32)
    return {"token_ids": token_ids, "weight_float": weight_float}


def reference(token_ids, weight_float):
    # set_weight_from_float: pad to power of two, convert to FP32 pulses
    padding = jnp.zeros((PADDED - VOCAB, EMBED), dtype=jnp.float32)
    padded = jnp.concatenate([weight_float, padding], axis=0)
    weight_pulse = float_to_fp32_pulse(padded)  # [PADDED, EMBED, 32]

    addr = int_to_binary_pulse(token_ids, ADDR_BITS)  # [N, ADDR_BITS]

    def select_one(addr_row):
        # MUX tree: each layer uses one address bit (MSB first) to pick
        # between upper (sel=1) and lower (sel=0) half of remaining table.
        current = weight_pulse
        for layer in range(ADDR_BITS):
            half = current.shape[0] // 2
            left = current[:half]
            right = current[half:2 * half]
            sel = addr_row[layer]
            # VecMUX(sel, right, left) = sel*right + (1-sel)*left
            current = sel * right + (1.0 - sel) * left
        return current[0]  # [EMBED, 32]

    result = jax.lax.map(select_one, addr)  # [N, EMBED, 32]
    return result.reshape(token_ids.shape + (EMBED, 32))

if __name__ == "__main__":
    import jax
    _d = setup_inputs()
    print(jax.jit(kernel)(*tuple(_d.values())))

</pallas_src>

<mosaic_0001>
#map = affine_map<(d0, d1) -> (0)>
#map1 = affine_map<(d0, d1) -> (0, 0)>
module attributes {stable_mosaic.version = 14 : i64} {
  func.func @_sc_body(%arg0: i32, %arg1: i32, %arg2: memref<1024xi32, #tpu.memory_space<hbm>>, %arg3: memref<125x128xf32, #tpu.memory_space<hbm>>, %arg4: memref<1024x512xf32, #tpu.memory_space<hbm>>, %arg5: memref<32xi32, #tpu.memory_space<vmem>>, %arg6: memref<32xi32, #tpu.memory_space<vmem>>, %arg7: memref<32x128xf32, #tpu.memory_space<vmem>>, %arg8: memref<32x512xf32, #tpu.memory_space<vmem>>, %arg9: memref<!tpu.dma_semaphore, #tpu.memory_space<semaphore_mem>>) attributes {dimension_semantics = [#tpu.dimension_semantics<core_parallel>, #tpu.dimension_semantics<subcore_parallel>], iteration_bounds = array<i64: 2, 16>, scalar_prefetch = 0 : i64, scratch_operands = 5 : i64, tpu.core_type = #tpu.core_type<sc_vector_subcore>, window_params = [{transform_indices = #map}, {transform_indices = #map1}, {transform_indices = #map1}]} {
    %mul3A = arith.constant 2 : i32
    %mul3A_0 = arith.muli %arg1, %mul3A : i32
    %add3A = arith.addi %mul3A_0, %arg0 : i32
    %mul3A_1 = arith.constant 32 : i32
    %mul3A_2 = arith.muli %add3A, %mul3A_1 : i32
    "tpu.region"() ({
      %run_scoped3A = tpu.sem_alloc : memref<!tpu.dma_semaphore, #tpu.memory_space<semaphore_mem>>
      %dma_start3A_24 = tpu.memref_slice %arg2[%mul3A_2] : memref<1024xi32, #tpu.memory_space<hbm>> -> memref<32xi32, #tpu.memory_space<hbm>>
      %dma_start3A_25 = tpu.memref_slice %arg2[%mul3A_2] : memref<1024xi32, #tpu.memory_space<hbm>> -> memref<32xi32, #tpu.memory_space<hbm>>
      tpu.enqueue_dma source(%dma_start3A_25 : memref<32xi32, #tpu.memory_space<hbm>>) target(%arg5 : memref<32xi32, #tpu.memory_space<vmem>>) target_semaphore(%run_scoped3A : memref<!tpu.dma_semaphore, #tpu.memory_space<semaphore_mem>>)
      %dma_wait3A_26 = tpu.memref_slice %arg2[%mul3A_2] : memref<1024xi32, #tpu.memory_space<hbm>> -> memref<32xi32, #tpu.memory_space<hbm>>
      %dma_wait3A_27 = tpu.memref_slice %arg2[%mul3A_2] : memref<1024xi32, #tpu.memory_space<hbm>> -> memref<32xi32, #tpu.memory_space<hbm>>
      tpu.wait_dma2 semaphore(%run_scoped3A : memref<!tpu.dma_semaphore, #tpu.memory_space<semaphore_mem>>) src(%dma_wait3A_27 : memref<32xi32, #tpu.memory_space<hbm>>) dst(%arg5 : memref<32xi32, #tpu.memory_space<vmem>>)
      tpu.yield
    }) : () -> ()
    %iota3A = tpu.iota {dimensions = array<i32: 0>} : vector<16xi32>
    %get3A = arith.constant 0 : index
    %get3A_3 = tpu.vector_load %arg5[%get3A] {strides = array<i32>} : memref<32xi32, #tpu.memory_space<vmem>>, vector<16xi32>,
    %shift_right_arithmetic3A = arith.constant 3 : i32
    %shift_right_arithmetic3A_4 = vector.broadcast %shift_right_arithmetic3A : i32 to vector<16xi32>
    %shift_right_arithmetic3A_5 = arith.shrsi %get3A_3, %shift_right_arithmetic3A_4 : vector<16xi32>
    %swap3A = arith.constant 0 : index
    %swap3A_6 = tpu.vector_load %arg6[%swap3A] {strides = array<i32>} : memref<32xi32, #tpu.memory_space<vmem>>, vector<16xi32>,
    tpu.vector_store %arg6[%swap3A], %shift_right_arithmetic3A_5 {strides = array<i32>} : memref<32xi32, #tpu.memory_space<vmem>>, vector<16xi32>,
    %get3A_7 = arith.constant 16 : index
    %get3A_8 = tpu.vector_load %arg5[%get3A_7] {strides = array<i32>} : memref<32xi32, #tpu.memory_space<vmem>>, vector<16xi32>,
    %shift_right_arithmetic3A_9 = arith.constant 3 : i32
    %shift_right_arithmetic3A_10 = vector.broadcast %shift_right_arithmetic3A_9 : i32 to vector<16xi32>
    %shift_right_arithmetic3A_11 = arith.shrsi %get3A_8, %shift_right_arithmetic3A_10 : vector<16xi32>
    %swap3A_12 = arith.constant 16 : index
    %swap3A_13 = tpu.vector_load %arg6[%swap3A_12] {strides = array<i32>} : memref<32xi32, #tpu.memory_space<vmem>>, vector<16xi32>,
    tpu.vector_store %arg6[%swap3A_12], %shift_right_arithmetic3A_11 {strides = array<i32>} : memref<32xi32, #tpu.memory_space<vmem>>, vector<16xi32>,
    %dma_start3A = arith.constant 0 : i32
    %dma_start3A_14 = arith.constant 0 : i32
    %dma_start3A_15 = tpu.memref_slice %arg3[%dma_start3A, %dma_start3A_14] : memref<125x128xf32, #tpu.memory_space<hbm>> -> memref<125x128xf32, #tpu.memory_space<hbm>>
    tpu.enqueue_indirect_dma source(%dma_start3A_15 : memref<125x128xf32, #tpu.memory_space<hbm>>) target(%arg7 : memref<32x128xf32, #tpu.memory_space<vmem>>) offsets(%arg6 : memref<32xi32, #tpu.memory_space<vmem>>) semaphore(%arg9 : memref<!tpu.dma_semaphore, #tpu.memory_space<semaphore_mem>>)
    %dma_wait3A = arith.constant 0 : i32
    %dma_wait3A_16 = arith.constant 0 : i32
    %dma_wait3A_17 = tpu.memref_slice %arg3[%dma_wait3A, %dma_wait3A_16] : memref<125x128xf32, #tpu.memory_space<hbm>> -> memref<125x128xf32, #tpu.memory_space<hbm>>
    tpu.wait_indirect_dma semaphore(%arg9 : memref<!tpu.dma_semaphore, #tpu.memory_space<semaphore_mem>>) src(%dma_wait3A_17 : memref<125x128xf32, #tpu.memory_space<hbm>>) dst(%arg7 : memref<32x128xf32, #tpu.memory_space<vmem>>)
    %barrier3A = arith.constant 0 : index
    tpu.barrier barrier_id(%barrier3A)
    %add3A_18 = arith.constant 16 : i32
    %add3A_19 = vector.broadcast %add3A_18 : i32 to vector<16xi32>
    %add3A_20 = arith.addi %iota3A, %add3A_19 : vector<16xi32>
    %broadcast_in_dim3A = arith.constant 1065353216 : i32
    %broadcast_in_dim3A_21 = vector.broadcast %broadcast_in_dim3A : i32 to vector<16xi32>
    %parallel_loop3A = arith.constant 0 : i32
    %parallel_loop3A_22 = arith.constant 32 : i32
    %parallel_loop3A_23 = arith.constant 1 : i32
    scf.for %parallel_loop3A_24 = %parallel_loop3A to %parallel_loop3A_22 step %parallel_loop3A_23  : i32 {
      %parallel_loop3A_25 = vector.broadcast %parallel_loop3A_24 : i32 to vector<16xi32>
      %parallel_loop3A_26 = tpu.vector_load_idx %arg5[%parallel_loop3A_25] : memref<32xi32, #tpu.memory_space<vmem>>[vector<16xi32>], vector<16xi32>,
      %parallel_loop3A_27 = arith.constant 7 : i32
      %parallel_loop3A_28 = vector.broadcast %parallel_loop3A_27 : i32 to vector<16xi32>
      %parallel_loop3A_29 = arith.andi %parallel_loop3A_26, %parallel_loop3A_28 : vector<16xi32>
      %parallel_loop3A_30 = arith.constant 16 : i32
      %parallel_loop3A_31 = vector.broadcast %parallel_loop3A_30 : i32 to vector<16xi32>
      %parallel_loop3A_32 = arith.muli %parallel_loop3A_29, %parallel_loop3A_31 : vector<16xi32>
      %parallel_loop3A_33 = arith.addi %parallel_loop3A_32, %iota3A : vector<16xi32>
      %parallel_loop3A_34 = tpu.vector_load_idx %arg7[%parallel_loop3A_25, %parallel_loop3A_33] : memref<32x128xf32, #tpu.memory_space<vmem>>[vector<16xi32>, vector<16xi32>], vector<16xf32>,
      %parallel_loop3A_35 = vector.bitcast %parallel_loop3A_34 : vector<16xf32> to vector<16xi32>
      %parallel_loop3A_36 = arith.constant 0 : i32
      %parallel_loop3A_37 = vector.broadcast %parallel_loop3A_36 : i32 to vector<16xi32>
      %parallel_loop3A_38 = arith.constant 0 : i32
      %parallel_loop3A_39 = vector.broadcast %parallel_loop3A_38 : i32 to vector<16xi32>
      %parallel_loop3A_40 = arith.cmpi slt, %parallel_loop3A_37, %parallel_loop3A_39 : vector<16xi32>
      %parallel_loop3A_41 = arith.constant 16 : i32
      %parallel_loop3A_42 = vector.broadcast %parallel_loop3A_41 : i32 to vector<16xi32>
      %parallel_loop3A_43 = arith.addi %parallel_loop3A_37, %parallel_loop3A_42 : vector<16xi32>
      %parallel_loop3A_44 = arith.select %parallel_loop3A_40, %parallel_loop3A_43, %parallel_loop3A_37 : vector<16xi1>, vector<16xi32>
      %parallel_loop3A_45 = vector.shape_cast %parallel_loop3A_44 : vector<16xi32> to vector<16x1xi32>
      %parallel_loop3A_46 = vector.shape_cast %parallel_loop3A_45 : vector<16x1xi32> to vector<16xi32>
      %parallel_loop3A_47 = tpu.dynamic_gather %parallel_loop3A_35[%parallel_loop3A_46] in [0] : vector<16xi32>, vector<16xi32> -> vector<16xi32>
      %parallel_loop3A_48 = arith.shli %parallel_loop3A_47, %iota3A : vector<16xi32>
      %parallel_loop3A_49 = arith.constant 31 : i32
      %parallel_loop3A_50 = vector.broadcast %parallel_loop3A_49 : i32 to vector<16xi32>
      %parallel_loop3A_51 = arith.shrsi %parallel_loop3A_48, %parallel_loop3A_50 : vector<16xi32>
      %parallel_loop3A_52 = arith.andi %parallel_loop3A_51, %broadcast_in_dim3A_21 : vector<16xi32>
      %parallel_loop3A_53 = arith.shli %parallel_loop3A_47, %add3A_20 : vector<16xi32>
      %parallel_loop3A_54 = arith.constant 31 : i32
      %parallel_loop3A_55 = vector.broadcast %parallel_loop3A_54 : i32 to vector<16xi32>
      %parallel_loop3A_56 = arith.shrsi %parallel_loop3A_53, %parallel_loop3A_55 : vector<16xi32>
      %parallel_loop3A_57 = arith.andi %parallel_loop3A_56, %broadcast_in_dim3A_21 : vector<16xi32>
      %parallel_loop3A_58 = vector.bitcast %parallel_loop3A_52 : vector<16xi32> to vector<16xf32>
      %parallel_loop3A_59 = arith.index_cast %parallel_loop3A_24 : i32 to index
      %parallel_loop3A_60 = arith.constant 0 : index
      %parallel_loop3A_61 = tpu.vector_load %arg8[%parallel_loop3A_59, %parallel_loop3A_60] {strides = array<i32>} : memref<32x512xf32, #tpu.memory_space<vmem>>, vector<16xf32>,
      tpu.vector_store %arg8[%parallel_loop3A_59, %parallel_loop3A_60], %parallel_loop3A_58 {strides = array<i32>} : memref<32x512xf32, #tpu.memory_space<vmem>>, vector<16xf32>,
      %parallel_loop3A_62 = vector.bitcast %parallel_loop3A_57 : vector<16xi32> to vector<16xf32>
      %parallel_loop3A_63 = arith.index_cast %parallel_loop3A_24 : i32 to index
      %parallel_loop3A_64 = arith.constant 16 : index
      %parallel_loop3A_65 = tpu.vector_load %arg8[%parallel_loop3A_63, %parallel_loop3A_64] {strides = array<i32>} : memref<32x512xf32, #tpu.memory_space<vmem>>, vector<16xf32>,
      tpu.vector_store %arg8[%parallel_loop3A_63, %parallel_loop3A_64], %parallel_loop3A_62 {strides = array<i32>} : memref<32x512xf32, #tpu.memory_space<vmem>>, vector<16xf32>,
      %parallel_loop3A_66 = arith.constant 1 : i32
      %parallel_loop3A_67 = vector.broadcast %parallel_loop3A_66 : i32 to vector<16xi32>
      %parallel_loop3A_68 = arith.constant 0 : i32
      %parallel_loop3A_69 = vector.broadcast %parallel_loop3A_68 : i32 to vector<16xi32>
      %parallel_loop3A_70 = arith.cmpi slt, %parallel_loop3A_67, %parallel_loop3A_69 : vector<16xi32>
      %parallel_loop3A_71 = arith.constant 16 : i32
      %parallel_loop3A_72 = vector.broadcast %parallel_loop3A_71 : i32 to vector<16xi32>
      %parallel_loop3A_73 = arith.addi %parallel_loop3A_67, %parallel_loop3A_72 : vector<16xi32>
      %parallel_loop3A_74 = arith.select %parallel_loop3A_70, %parallel_loop3A_73, %parallel_loop3A_67 : vector<16xi1>, vector<16xi32>
      %parallel_loop3A_75 = vector.shape_cast %parallel_loop3A_74 : vector<16xi32> to vector<16x1xi32>
      %parallel_loop3A_76 = vector.shape_cast %parallel_loop3A_75 : vector<16x1xi32> to vector<16xi32>
      %parallel_loop3A_77 = tpu.dynamic_gather %parallel_loop3A_35[%parallel_loop3A_76] in [0] : vector<16xi32>, vector<16xi32> -> vector<16xi32>
      %parallel_loop3A_78 = arith.shli %parallel_loop3A_77, %iota3A : vector<16xi32>
      %parallel_loop3A_79 = arith.constant 31 : i32
      %parallel_loop3A_80 = vector.broadcast %parallel_loop3A_79 : i32 to vector<16xi32>
      %parallel_loop3A_81 = arith.shrsi %parallel_loop3A_78, %parallel_loop3A_80 : vector<16xi32>
      %parallel_loop3A_82 = arith.andi %parallel_loop3A_81, %broadcast_in_dim3A_21 : vector<16xi32>
      %parallel_loop3A_83 = arith.shli %parallel_loop3A_77, %add3A_20 : vector<16xi32>
      %parallel_loop3A_84 = arith.constant 31 : i32
      %parallel_loop3A_85 = vector.broadcast %parallel_loop3A_84 : i32 to vector<16xi32>
      %parallel_loop3A_86 = arith.shrsi %parallel_loop3A_83, %parallel_loop3A_85 : vector<16xi32>
      %parallel_loop3A_87 = arith.andi %parallel_loop3A_86, %broadcast_in_dim3A_21 : vector<16xi32>
      %parallel_loop3A_88 = vector.bitcast %parallel_loop3A_82 : vector<16xi32> to vector<16xf32>
      %parallel_loop3A_89 = arith.index_cast %parallel_loop3A_24 : i32 to index
      %parallel_loop3A_90 = arith.constant 32 : index
      %parallel_loop3A_91 = tpu.vector_load %arg8[%parallel_loop3A_89, %parallel_loop3A_90] {strides = array<i32>} : memref<32x512xf32, #tpu.memory_space<vmem>>, vector<16xf32>,
      tpu.vector_store %arg8[%parallel_loop3A_89, %parallel_loop3A_90], %parallel_loop3A_88 {strides = array<i32>} : memref<32x512xf32, #tpu.memory_space<vmem>>, vector<16xf32>,
      %parallel_loop3A_92 = vector.bitcast %parallel_loop3A_87 : vector<16xi32> to vector<16xf32>
      %parallel_loop3A_93 = arith.index_cast %parallel_loop3A_24 : i32 to index
      %parallel_loop3A_94 = arith.constant 48 : index
      %parallel_loop3A_95 = tpu.vector_load %arg8[%parallel_loop3A_93, %parallel_loop3A_94] {strides = array<i32>} : memref<32x512xf32, #tpu.memory_space<vmem>>, vector<16xf32>,
      tpu.vector_store %arg8[%parallel_loop3A_93, %parallel_loop3A_94], %parallel_loop3A_92 {strides = array<i32>} : memref<32x512xf32, #tpu.memory_space<vmem>>, vector<16xf32>,
      %parallel_loop3A_96 = arith.constant 2 : i32
      %parallel_loop3A_97 = vector.broadcast %parallel_loop3A_96 : i32 to vector<16xi32>
      %parallel_loop3A_98 = arith.constant 0 : i32
      %parallel_loop3A_99 = vector.broadcast %parallel_loop3A_98 : i32 to vector<16xi32>
      %parallel_loop3A_100 = arith.cmpi slt, %parallel_loop3A_97, %parallel_loop3A_99 : vector<16xi32>
      %parallel_loop3A_101 = arith.constant 16 : i32
      %parallel_loop3A_102 = vector.broadcast %parallel_loop3A_101 : i32 to vector<16xi32>
      %parallel_loop3A_103 = arith.addi %parallel_loop3A_97, %parallel_loop3A_102 : vector<16xi32>
      %parallel_loop3A_104 = arith.select %parallel_loop3A_100, %parallel_loop3A_103, %parallel_loop3A_97 : vector<16xi1>, vector<16xi32>
      %parallel_loop3A_105 = vector.shape_cast %parallel_loop3A_104 : vector<16xi32> to vector<16x1xi32>
      %parallel_loop3A_106 = vector.shape_cast %parallel_loop3A_105 : vector<16x1xi32> to vector<16xi32>
      %parallel_loop3A_107 = tpu.dynamic_gather %parallel_loop3A_35[%parallel_loop3A_106] in [0] : vector<16xi32>, vector<16xi32> -> vector<16xi32>
      %parallel_loop3A_108 = arith.shli %parallel_loop3A_107, %iota3A : vector<16xi32>
      %parallel_loop3A_109 = arith.constant 31 : i32
      %parallel_loop3A_110 = vector.broadcast %parallel_loop3A_109 : i32 to vector<16xi32>
      %parallel_loop3A_111 = arith.shrsi %parallel_loop3A_108, %parallel_loop3A_110 : vector<16xi32>
      %parallel_loop3A_112 = arith.andi %parallel_loop3A_111, %broadcast_in_dim3A_21 : vector<16xi32>
      %parallel_loop3A_113 = arith.shli %parallel_loop3A_107, %add3A_20 : vector<16xi32>
      %parallel_loop3A_114 = arith.constant 31 : i32
      %parallel_loop3A_115 = vector.broadcast %parallel_loop3A_114 : i32 to vector<16xi32>
      %parallel_loop3A_116 = arith.shrsi %parallel_loop3A_113, %parallel_loop3A_115 : vector<16xi32>
      %parallel_loop3A_117 = arith.andi %parallel_loop3A_116, %broadcast_in_dim3A_21 : vector<16xi32>
      %parallel_loop3A_118 = vector.bitcast %parallel_loop3A_112 : vector<16xi32> to vector<16xf32>
      %parallel_loop3A_119 = arith.index_cast %parallel_loop3A_24 : i32 to index
      %parallel_loop3A_120 = arith.constant 64 : index
      %parallel_loop3A_121 = tpu.vector_load %arg8[%parallel_loop3A_119, %parallel_loop3A_120] {strides = array<i32>} : memref<32x512xf32, #tpu.memory_space<vmem>>, vector<16xf32>,
      tpu.vector_store %arg8[%parallel_loop3A_119, %parallel_loop3A_120], %parallel_loop3A_118 {strides = array<i32>} : memref<32x512xf32, #tpu.memory_space<vmem>>, vector<16xf32>,
      %parallel_loop3A_122 = vector.bitcast %parallel_loop3A_117 : vector<16xi32> to vector<16xf32>
      %parallel_loop3A_123 = arith.index_cast %parallel_loop3A_24 : i32 to index
      %parallel_loop3A_124 = arith.constant 80 : index
      %parallel_loop3A_125 = tpu.vector_load %arg8[%parallel_loop3A_123, %parallel_loop3A_124] {strides = array<i32>} : memref<32x512xf32, #tpu.memory_space<vmem>>, vector<16xf32>,
      tpu.vector_store %arg8[%parallel_loop3A_123, %parallel_loop3A_124], %parallel_loop3A_122 {strides = array<i32>} : memref<32x512xf32, #tpu.memory_space<vmem>>, vector<16xf32>,
      %parallel_loop3A_126 = arith.constant 3 : i32
      %parallel_loop3A_127 = vector.broadcast %parallel_loop3A_126 : i32 to vector<16xi32>
      %parallel_loop3A_128 = arith.constant 0 : i32
      %parallel_loop3A_129 = vector.broadcast %parallel_loop3A_128 : i32 to vector<16xi32>
      %parallel_loop3A_130 = arith.cmpi slt, %parallel_loop3A_127, %parallel_loop3A_129 : vector<16xi32>
      %parallel_loop3A_131 = arith.constant 16 : i32
      %parallel_loop3A_132 = vector.broadcast %parallel_loop3A_131 : i32 to vector<16xi32>
      %parallel_loop3A_133 = arith.addi %parallel_loop3A_127, %parallel_loop3A_132 : vector<16xi32>
      %parallel_loop3A_134 = arith.select %parallel_loop3A_130, %parallel_loop3A_133, %parallel_loop3A_127 : vector<16xi1>, vector<16xi32>
      %parallel_loop3A_135 = vector.shape_cast %parallel_loop3A_134 : vector<16xi32> to vector<16x1xi32>
      %parallel_loop3A_136 = vector.shape_cast %parallel_loop3A_135 : vector<16x1xi32> to vector<16xi32>
      %parallel_loop3A_137 = tpu.dynamic_gather %parallel_loop3A_35[%parallel_loop3A_136] in [0] : vector<16xi32>, vector<16xi32> -> vector<16xi32>
      %parallel_loop3A_138 = arith.shli %parallel_loop3A_137, %iota3A : vector<16xi32>
      %parallel_loop3A_139 = arith.constant 31 : i32
      %parallel_loop3A_140 = vector.broadcast %parallel_loop3A_139 : i32 to vector<16xi32>
      %parallel_loop3A_141 = arith.shrsi %parallel_loop3A_138, %parallel_loop3A_140 : vector<16xi32>
      %parallel_loop3A_142 = arith.andi %parallel_loop3A_141, %broadcast_in_dim3A_21 : vector<16xi32>
      %parallel_loop3A_143 = arith.shli %parallel_loop3A_137, %add3A_20 : vector<16xi32>
      %parallel_loop3A_144 = arith.constant 31 : i32
      %parallel_loop3A_145 = vector.broadcast %parallel_loop3A_144 : i32 to vector<16xi32>
      %parallel_loop3A_146 = arith.shrsi %parallel_loop3A_143, %parallel_loop3A_145 : vector<16xi32>
      %parallel_loop3A_147 = arith.andi %parallel_loop3A_146, %broadcast_in_dim3A_21 : vector<16xi32>
      %parallel_loop3A_148 = vector.bitcast %parallel_loop3A_142 : vector<16xi32> to vector<16xf32>
      %parallel_loop3A_149 = arith.index_cast %parallel_loop3A_24 : i32 to index
      %parallel_loop3A_150 = arith.constant 96 : index
      %parallel_loop3A_151 = tpu.vector_load %arg8[%parallel_loop3A_149, %parallel_loop3A_150] {strides = array<i32>} : memref<32x512xf32, #tpu.memory_space<vmem>>, vector<16xf32>,
      tpu.vector_store %arg8[%parallel_loop3A_149, %parallel_loop3A_150], %parallel_loop3A_148 {strides = array<i32>} : memref<32x512xf32, #tpu.memory_space<vmem>>, vector<16xf32>,
      %parallel_loop3A_152 = vector.bitcast %parallel_loop3A_147 : vector<16xi32> to vector<16xf32>
      %parallel_loop3A_153 = arith.index_cast %parallel_loop3A_24 : i32 to index
      %parallel_loop3A_154 = arith.constant 112 : index
      %parallel_loop3A_155 = tpu.vector_load %arg8[%parallel_loop3A_153, %parallel_loop3A_154] {strides = array<i32>} : memref<32x512xf32, #tpu.memory_space<vmem>>, vector<16xf32>,
      tpu.vector_store %arg8[%parallel_loop3A_153, %parallel_loop3A_154], %parallel_loop3A_152 {strides = array<i32>} : memref<32x512xf32, #tpu.memory_space<vmem>>, vector<16xf32>,
      %parallel_loop3A_156 = arith.constant 4 : i32
      %parallel_loop3A_157 = vector.broadcast %parallel_loop3A_156 : i32 to vector<16xi32>
      %parallel_loop3A_158 = arith.constant 0 : i32
      %parallel_loop3A_159 = vector.broadcast %parallel_loop3A_158 : i32 to vector<16xi32>
      %parallel_loop3A_160 = arith.cmpi slt, %parallel_loop3A_157, %parallel_loop3A_159 : vector<16xi32>
      %parallel_loop3A_161 = arith.constant 16 : i32
      %parallel_loop3A_162 = vector.broadcast %parallel_loop3A_161 : i32 to vector<16xi32>
      %parallel_loop3A_163 = arith.addi %parallel_loop3A_157, %parallel_loop3A_162 : vector<16xi32>
      %parallel_loop3A_164 = arith.select %parallel_loop3A_160, %parallel_loop3A_163, %parallel_loop3A_157 : vector<16xi1>, vector<16xi32>
      %parallel_loop3A_165 = vector.shape_cast %parallel_loop3A_164 : vector<16xi32> to vector<16x1xi32>
      %parallel_loop3A_166 = vector.shape_cast %parallel_loop3A_165 : vector<16x1xi32> to vector<16xi32>
      %parallel_loop3A_167 = tpu.dynamic_gather %parallel_loop3A_35[%parallel_loop3A_166] in [0] : vector<16xi32>, vector<16xi32> -> vector<16xi32>
      %parallel_loop3A_168 = arith.shli %parallel_loop3A_167, %iota3A : vector<16xi32>
      %parallel_loop3A_169 = arith.constant 31 : i32
      %parallel_loop3A_170 = vector.broadcast %parallel_loop3A_169 : i32 to vector<16xi32>
      %parallel_loop3A_171 = arith.shrsi %parallel_loop3A_168, %parallel_loop3A_170 : vector<16xi32>
      %parallel_loop3A_172 = arith.andi %parallel_loop3A_171, %broadcast_in_dim3A_21 : vector<16xi32>
      %parallel_loop3A_173 = arith.shli %parallel_loop3A_167, %add3A_20 : vector<16xi32>
      %parallel_loop3A_174 = arith.constant 31 : i32
      %parallel_loop3A_175 = vector.broadcast %parallel_loop3A_174 : i32 to vector<16xi32>
      %parallel_loop3A_176 = arith.shrsi %parallel_loop3A_173, %parallel_loop3A_175 : vector<16xi32>
      %parallel_loop3A_177 = arith.andi %parallel_loop3A_176, %broadcast_in_dim3A_21 : vector<16xi32>
      %parallel_loop3A_178 = vector.bitcast %parallel_loop3A_172 : vector<16xi32> to vector<16xf32>
      %parallel_loop3A_179 = arith.index_cast %parallel_loop3A_24 : i32 to index
      %parallel_loop3A_180 = arith.constant 128 : index
      %parallel_loop3A_181 = tpu.vector_load %arg8[%parallel_loop3A_179, %parallel_loop3A_180] {strides = array<i32>} : memref<32x512xf32, #tpu.memory_space<vmem>>, vector<16xf32>,
      tpu.vector_store %arg8[%parallel_loop3A_179, %parallel_loop3A_180], %parallel_loop3A_178 {strides = array<i32>} : memref<32x512xf32, #tpu.memory_space<vmem>>, vector<16xf32>,
      %parallel_loop3A_182 = vector.bitcast %parallel_loop3A_177 : vector<16xi32> to vector<16xf32>
      %parallel_loop3A_183 = arith.index_cast %parallel_loop3A_24 : i32 to index
      %parallel_loop3A_184 = arith.constant 144 : index
      %parallel_loop3A_185 = tpu.vector_load %arg8[%parallel_loop3A_183, %parallel_loop3A_184] {strides = array<i32>} : memref<32x512xf32, #tpu.memory_space<vmem>>, vector<16xf32>,
      tpu.vector_store %arg8[%parallel_loop3A_183, %parallel_loop3A_184], %parallel_loop3A_182 {strides = array<i32>} : memref<32x512xf32, #tpu.memory_space<vmem>>, vector<16xf32>,
      %parallel_loop3A_186 = arith.constant 5 : i32
      %parallel_loop3A_187 = vector.broadcast %parallel_loop3A_186 : i32 to vector<16xi32>
      %parallel_loop3A_188 = arith.constant 0 : i32
      %parallel_loop3A_189 = vector.broadcast %parallel_loop3A_188 : i32 to vector<16xi32>
      %parallel_loop3A_190 = arith.cmpi slt, %parallel_loop3A_187, %parallel_loop3A_189 : vector<16xi32>
      %parallel_loop3A_191 = arith.constant 16 : i32
      %parallel_loop3A_192 = vector.broadcast %parallel_loop3A_191 : i32 to vector<16xi32>
      %parallel_loop3A_193 = arith.addi %parallel_loop3A_187, %parallel_loop3A_192 : vector<16xi32>
      %parallel_loop3A_194 = arith.select %parallel_loop3A_190, %parallel_loop3A_193, %parallel_loop3A_187 : vector<16xi1>, vector<16xi32>
      %parallel_loop3A_195 = vector.shape_cast %parallel_loop3A_194 : vector<16xi32> to vector<16x1xi32>
      %parallel_loop3A_196 = vector.shape_cast %parallel_loop3A_195 : vector<16x1xi32> to vector<16xi32>
      %parallel_loop3A_197 = tpu.dynamic_gather %parallel_loop3A_35[%parallel_loop3A_196] in [0] : vector<16xi32>, vector<16xi32> -> vector<16xi32>
      %parallel_loop3A_198 = arith.shli %parallel_loop3A_197, %iota3A : vector<16xi32>
      %parallel_loop3A_199 = arith.constant 31 : i32
      %parallel_loop3A_200 = vector.broadcast %parallel_loop3A_199 : i32 to vector<16xi32>
      %parallel_loop3A_201 = arith.shrsi %parallel_loop3A_198, %parallel_loop3A_200 : vector<16xi32>
      %parallel_loop3A_202 = arith.andi %parallel_loop3A_201, %broadcast_in_dim3A_21 : vector<16xi32>
      %parallel_loop3A_203 = arith.shli %parallel_loop3A_197, %add3A_20 : vector<16xi32>
      %parallel_loop3A_204 = arith.constant 31 : i32
      %parallel_loop3A_205 = vector.broadcast %parallel_loop3A_204 : i32 to vector<16xi32>
      %parallel_loop3A_206 = arith.shrsi %parallel_loop3A_203, %parallel_loop3A_205 : vector<16xi32>
      %parallel_loop3A_207 = arith.andi %parallel_loop3A_206, %broadcast_in_dim3A_21 : vector<16xi32>
      %parallel_loop3A_208 = vector.bitcast %parallel_loop3A_202 : vector<16xi32> to vector<16xf32>
      %parallel_loop3A_209 = arith.index_cast %parallel_loop3A_24 : i32 to index
      %parallel_loop3A_210 = arith.constant 160 : index
      %parallel_loop3A_211 = tpu.vector_load %arg8[%parallel_loop3A_209, %parallel_loop3A_210] {strides = array<i32>} : memref<32x512xf32, #tpu.memory_space<vmem>>, vector<16xf32>,
      tpu.vector_store %arg8[%parallel_loop3A_209, %parallel_loop3A_210], %parallel_loop3A_208 {strides = array<i32>} : memref<32x512xf32, #tpu.memory_space<vmem>>, vector<16xf32>,
      %parallel_loop3A_212 = vector.bitcast %parallel_loop3A_207 : vector<16xi32> to vector<16xf32>
      %parallel_loop3A_213 = arith.index_cast %parallel_loop3A_24 : i32 to index
      %parallel_loop3A_214 = arith.constant 176 : index
      %parallel_loop3A_215 = tpu.vector_load %arg8[%parallel_loop3A_213, %parallel_loop3A_214] {strides = array<i32>} : memref<32x512xf32, #tpu.memory_space<vmem>>, vector<16xf32>,
      tpu.vector_store %arg8[%parallel_loop3A_213, %parallel_loop3A_214], %parallel_loop3A_212 {strides = array<i32>} : memref<32x512xf32, #tpu.memory_space<vmem>>, vector<16xf32>,
      %parallel_loop3A_216 = arith.constant 6 : i32
      %parallel_loop3A_217 = vector.broadcast %parallel_loop3A_216 : i32 to vector<16xi32>
      %parallel_loop3A_218 = arith.constant 0 : i32
      %parallel_loop3A_219 = vector.broadcast %parallel_loop3A_218 : i32 to vector<16xi32>
      %parallel_loop3A_220 = arith.cmpi slt, %parallel_loop3A_217, %parallel_loop3A_219 : vector<16xi32>
      %parallel_loop3A_221 = arith.constant 16 : i32
      %parallel_loop3A_222 = vector.broadcast %parallel_loop3A_221 : i32 to vector<16xi32>
      %parallel_loop3A_223 = arith.addi %parallel_loop3A_217, %parallel_loop3A_222 : vector<16xi32>
      %parallel_loop3A_224 = arith.select %parallel_loop3A_220, %parallel_loop3A_223, %parallel_loop3A_217 : vector<16xi1>, vector<16xi32>
      %parallel_loop3A_225 = vector.shape_cast %parallel_loop3A_224 : vector<16xi32> to vector<16x1xi32>
      %parallel_loop3A_226 = vector.shape_cast %parallel_loop3A_225 : vector<16x1xi32> to vector<16xi32>
      %parallel_loop3A_227 = tpu.dynamic_gather %parallel_loop3A_35[%parallel_loop3A_226] in [0] : vector<16xi32>, vector<16xi32> -> vector<16xi32>
      %parallel_loop3A_228 = arith.shli %parallel_loop3A_227, %iota3A : vector<16xi32>
      %parallel_loop3A_229 = arith.constant 31 : i32
      %parallel_loop3A_230 = vector.broadcast %parallel_loop3A_229 : i32 to vector<16xi32>
      %parallel_loop3A_231 = arith.shrsi %parallel_loop3A_228, %parallel_loop3A_230 : vector<16xi32>
      %parallel_loop3A_232 = arith.andi %parallel_loop3A_231, %broadcast_in_dim3A_21 : vector<16xi32>
      %parallel_loop3A_233 = arith.shli %parallel_loop3A_227, %add3A_20 : vector<16xi32>
      %parallel_loop3A_234 = arith.constant 31 : i32
      %parallel_loop3A_235 = vector.broadcast %parallel_loop3A_234 : i32 to vector<16xi32>
      %parallel_loop3A_236 = arith.shrsi %parallel_loop3A_233, %parallel_loop3A_235 : vector<16xi32>
      %parallel_loop3A_237 = arith.andi %parallel_loop3A_236, %broadcast_in_dim3A_21 : vector<16xi32>
      %parallel_loop3A_238 = vector.bitcast %parallel_loop3A_232 : vector<16xi32> to vector<16xf32>
      %parallel_loop3A_239 = arith.index_cast %parallel_loop3A_24 : i32 to index
      %parallel_loop3A_240 = arith.constant 192 : index
      %parallel_loop3A_241 = tpu.vector_load %arg8[%parallel_loop3A_239, %parallel_loop3A_240] {strides = array<i32>} : memref<32x512xf32, #tpu.memory_space<vmem>>, vector<16xf32>,
      tpu.vector_store %arg8[%parallel_loop3A_239, %parallel_loop3A_240], %parallel_loop3A_238 {strides = array<i32>} : memref<32x512xf32, #tpu.memory_space<vmem>>, vector<16xf32>,
      %parallel_loop3A_242 = vector.bitcast %parallel_loop3A_237 : vector<16xi32> to vector<16xf32>
      %parallel_loop3A_243 = arith.index_cast %parallel_loop3A_24 : i32 to index
      %parallel_loop3A_244 = arith.constant 208 : index
      %parallel_loop3A_245 = tpu.vector_load %arg8[%parallel_loop3A_243, %parallel_loop3A_244] {strides = array<i32>} : memref<32x512xf32, #tpu.memory_space<vmem>>, vector<16xf32>,
      tpu.vector_store %arg8[%parallel_loop3A_243, %parallel_loop3A_244], %parallel_loop3A_242 {strides = array<i32>} : memref<32x512xf32, #tpu.memory_space<vmem>>, vector<16xf32>,
      %parallel_loop3A_246 = arith.constant 7 : i32
      %parallel_loop3A_247 = vector.broadcast %parallel_loop3A_246 : i32 to vector<16xi32>
      %parallel_loop3A_248 = arith.constant 0 : i32
      %parallel_loop3A_249 = vector.broadcast %parallel_loop3A_248 : i32 to vector<16xi32>
      %parallel_loop3A_250 = arith.cmpi slt, %parallel_loop3A_247, %parallel_loop3A_249 : vector<16xi32>
      %parallel_loop3A_251 = arith.constant 16 : i32
      %parallel_loop3A_252 = vector.broadcast %parallel_loop3A_251 : i32 to vector<16xi32>
      %parallel_loop3A_253 = arith.addi %parallel_loop3A_247, %parallel_loop3A_252 : vector<16xi32>
      %parallel_loop3A_254 = arith.select %parallel_loop3A_250, %parallel_loop3A_253, %parallel_loop3A_247 : vector<16xi1>, vector<16xi32>
      %parallel_loop3A_255 = vector.shape_cast %parallel_loop3A_254 : vector<16xi32> to vector<16x1xi32>
      %parallel_loop3A_256 = vector.shape_cast %parallel_loop3A_255 : vector<16x1xi32> to vector<16xi32>
      %parallel_loop3A_257 = tpu.dynamic_gather %parallel_loop3A_35[%parallel_loop3A_256] in [0] : vector<16xi32>, vector<16xi32> -> vector<16xi32>
      %parallel_loop3A_258 = arith.shli %parallel_loop3A_257, %iota3A : vector<16xi32>
      %parallel_loop3A_259 = arith.constant 31 : i32
      %parallel_loop3A_260 = vector.broadcast %parallel_loop3A_259 : i32 to vector<16xi32>
      %parallel_loop3A_261 = arith.shrsi %parallel_loop3A_258, %parallel_loop3A_260 : vector<16xi32>
      %parallel_loop3A_262 = arith.andi %parallel_loop3A_261, %broadcast_in_dim3A_21 : vector<16xi32>
      %parallel_loop3A_263 = arith.shli %parallel_loop3A_257, %add3A_20 : vector<16xi32>
      %parallel_loop3A_264 = arith.constant 31 : i32
      %parallel_loop3A_265 = vector.broadcast %parallel_loop3A_264 : i32 to vector<16xi32>
      %parallel_loop3A_266 = arith.shrsi %parallel_loop3A_263, %parallel_loop3A_265 : vector<16xi32>
      %parallel_loop3A_267 = arith.andi %parallel_loop3A_266, %broadcast_in_dim3A_21 : vector<16xi32>
      %parallel_loop3A_268 = vector.bitcast %parallel_loop3A_262 : vector<16xi32> to vector<16xf32>
      %parallel_loop3A_269 = arith.index_cast %parallel_loop3A_24 : i32 to index
      %parallel_loop3A_270 = arith.constant 224 : index
      %parallel_loop3A_271 = tpu.vector_load %arg8[%parallel_loop3A_269, %parallel_loop3A_270] {strides = array<i32>} : memref<32x512xf32, #tpu.memory_space<vmem>>, vector<16xf32>,
      tpu.vector_store %arg8[%parallel_loop3A_269, %parallel_loop3A_270], %parallel_loop3A_268 {strides = array<i32>} : memref<32x512xf32, #tpu.memory_space<vmem>>, vector<16xf32>,
      %parallel_loop3A_272 = vector.bitcast %parallel_loop3A_267 : vector<16xi32> to vector<16xf32>
      %parallel_loop3A_273 = arith.index_cast %parallel_loop3A_24 : i32 to index
      %parallel_loop3A_274 = arith.constant 240 : index
      %parallel_loop3A_275 = tpu.vector_load %arg8[%parallel_loop3A_273, %parallel_loop3A_274] {strides = array<i32>} : memref<32x512xf32, #tpu.memory_space<vmem>>, vector<16xf32>,
      tpu.vector_store %arg8[%parallel_loop3A_273, %parallel_loop3A_274], %parallel_loop3A_272 {strides = array<i32>} : memref<32x512xf32, #tpu.memory_space<vmem>>, vector<16xf32>,
      %parallel_loop3A_276 = arith.constant 8 : i32
      %parallel_loop3A_277 = vector.broadcast %parallel_loop3A_276 : i32 to vector<16xi32>
      %parallel_loop3A_278 = arith.constant 0 : i32
      %parallel_loop3A_279 = vector.broadcast %parallel_loop3A_278 : i32 to vector<16xi32>
      %parallel_loop3A_280 = arith.cmpi slt, %parallel_loop3A_277, %parallel_loop3A_279 : vector<16xi32>
      %parallel_loop3A_281 = arith.constant 16 : i32
      %parallel_loop3A_282 = vector.broadcast %parallel_loop3A_281 : i32 to vector<16xi32>
      %parallel_loop3A_283 = arith.addi %parallel_loop3A_277, %parallel_loop3A_282 : vector<16xi32>
      %parallel_loop3A_284 = arith.select %parallel_loop3A_280, %parallel_loop3A_283, %parallel_loop3A_277 : vector<16xi1>, vector<16xi32>
      %parallel_loop3A_285 = vector.shape_cast %parallel_loop3A_284 : vector<16xi32> to vector<16x1xi32>
      %parallel_loop3A_286 = vector.shape_cast %parallel_loop3A_285 : vector<16x1xi32> to vector<16xi32>
      %parallel_loop3A_287 = tpu.dynamic_gather %parallel_loop3A_35[%parallel_loop3A_286] in [0] : vector<16xi32>, vector<16xi32> -> vector<16xi32>
      %parallel_loop3A_288 = arith.shli %parallel_loop3A_287, %iota3A : vector<16xi32>
      %parallel_loop3A_289 = arith.constant 31 : i32
      %parallel_loop3A_290 = vector.broadcast %parallel_loop3A_289 : i32 to vector<16xi32>
      %parallel_loop3A_291 = arith.shrsi %parallel_loop3A_288, %parallel_loop3A_290 : vector<16xi32>
      %parallel_loop3A_292 = arith.andi %parallel_loop3A_291, %broadcast_in_dim3A_21 : vector<16xi32>
      %parallel_loop3A_293 = arith.shli %parallel_loop3A_287, %add3A_20 : vector<16xi32>
      %parallel_loop3A_294 = arith.constant 31 : i32
      %parallel_loop3A_295 = vector.broadcast %parallel_loop3A_294 : i32 to vector<16xi32>
      %parallel_loop3A_296 = arith.shrsi %parallel_loop3A_293, %parallel_loop3A_295 : vector<16xi32>
      %parallel_loop3A_297 = arith.andi %parallel_loop3A_296, %broadcast_in_dim3A_21 : vector<16xi32>
      %parallel_loop3A_298 = vector.bitcast %parallel_loop3A_292 : vector<16xi32> to vector<16xf32>
      %parallel_loop3A_299 = arith.index_cast %parallel_loop3A_24 : i32 to index
      %parallel_loop3A_300 = arith.constant 256 : index
      %parallel_loop3A_301 = tpu.vector_load %arg8[%parallel_loop3A_299, %parallel_loop3A_300] {strides = array<i32>} : memref<32x512xf32, #tpu.memory_space<vmem>>, vector<16xf32>,
      tpu.vector_store %arg8[%parallel_loop3A_299, %parallel_loop3A_300], %parallel_loop3A_298 {strides = array<i32>} : memref<32x512xf32, #tpu.memory_space<vmem>>, vector<16xf32>,
      %parallel_loop3A_302 = vector.bitcast %parallel_loop3A_297 : vector<16xi32> to vector<16xf32>
      %parallel_loop3A_303 = arith.index_cast %parallel_loop3A_24 : i32 to index
      %parallel_loop3A_304 = arith.constant 272 : index
      %parallel_loop3A_305 = tpu.vector_load %arg8[%parallel_loop3A_303, %parallel_loop3A_304] {strides = array<i32>} : memref<32x512xf32, #tpu.memory_space<vmem>>, vector<16xf32>,
      tpu.vector_store %arg8[%parallel_loop3A_303, %parallel_loop3A_304], %parallel_loop3A_302 {strides = array<i32>} : memref<32x512xf32, #tpu.memory_space<vmem>>, vector<16xf32>,
      %parallel_loop3A_306 = arith.constant 9 : i32
      %parallel_loop3A_307 = vector.broadcast %parallel_loop3A_306 : i32 to vector<16xi32>
      %parallel_loop3A_308 = arith.constant 0 : i32
      %parallel_loop3A_309 = vector.broadcast %parallel_loop3A_308 : i32 to vector<16xi32>
      %parallel_loop3A_310 = arith.cmpi slt, %parallel_loop3A_307, %parallel_loop3A_309 : vector<16xi32>
      %parallel_loop3A_311 = arith.constant 16 : i32
      %parallel_loop3A_312 = vector.broadcast %parallel_loop3A_311 : i32 to vector<16xi32>
      %parallel_loop3A_313 = arith.addi %parallel_loop3A_307, %parallel_loop3A_312 : vector<16xi32>
      %parallel_loop3A_314 = arith.select %parallel_loop3A_310, %parallel_loop3A_313, %parallel_loop3A_307 : vector<16xi1>, vector<16xi32>
      %parallel_loop3A_315 = vector.shape_cast %parallel_loop3A_314 : vector<16xi32> to vector<16x1xi32>
      %parallel_loop3A_316 = vector.shape_cast %parallel_loop3A_315 : vector<16x1xi32> to vector<16xi32>
      %parallel_loop3A_317 = tpu.dynamic_gather %parallel_loop3A_35[%parallel_loop3A_316] in [0] : vector<16xi32>, vector<16xi32> -> vector<16xi32>
      %parallel_loop3A_318 = arith.shli %parallel_loop3A_317, %iota3A : vector<16xi32>
      %parallel_loop3A_319 = arith.constant 31 : i32
      %parallel_loop3A_320 = vector.broadcast %parallel_loop3A_319 : i32 to vector<16xi32>
      %parallel_loop3A_321 = arith.shrsi %parallel_loop3A_318, %parallel_loop3A_320 : vector<16xi32>
      %parallel_loop3A_322 = arith.andi %parallel_loop3A_321, %broadcast_in_dim3A_21 : vector<16xi32>
      %parallel_loop3A_323 = arith.shli %parallel_loop3A_317, %add3A_20 : vector<16xi32>
      %parallel_loop3A_324 = arith.constant 31 : i32
      %parallel_loop3A_325 = vector.broadcast %parallel_loop3A_324 : i32 to vector<16xi32>
      %parallel_loop3A_326 = arith.shrsi %parallel_loop3A_323, %parallel_loop3A_325 : vector<16xi32>
      %parallel_loop3A_327 = arith.andi %parallel_loop3A_326, %broadcast_in_dim3A_21 : vector<16xi32>
      %parallel_loop3A_328 = vector.bitcast %parallel_loop3A_322 : vector<16xi32> to vector<16xf32>
      %parallel_loop3A_329 = arith.index_cast %parallel_loop3A_24 : i32 to index
      %parallel_loop3A_330 = arith.constant 288 : index
      %parallel_loop3A_331 = tpu.vector_load %arg8[%parallel_loop3A_329, %parallel_loop3A_330] {strides = array<i32>} : memref<32x512xf32, #tpu.memory_space<vmem>>, vector<16xf32>,
      tpu.vector_store %arg8[%parallel_loop3A_329, %parallel_loop3A_330], %parallel_loop3A_328 {strides = array<i32>} : memref<32x512xf32, #tpu.memory_space<vmem>>, vector<16xf32>,
      %parallel_loop3A_332 = vector.bitcast %parallel_loop3A_327 : vector<16xi32> to vector<16xf32>
      %parallel_loop3A_333 = arith.index_cast %parallel_loop3A_24 : i32 to index
      %parallel_loop3A_334 = arith.constant 304 : index
      %parallel_loop3A_335 = tpu.vector_load %arg8[%parallel_loop3A_333, %parallel_loop3A_334] {strides = array<i32>} : memref<32x512xf32, #tpu.memory_space<vmem>>, vector<16xf32>,
      tpu.vector_store %arg8[%parallel_loop3A_333, %parallel_loop3A_334], %parallel_loop3A_332 {strides = array<i32>} : memref<32x512xf32, #tpu.memory_space<vmem>>, vector<16xf32>,
      %parallel_loop3A_336 = arith.constant 10 : i32
      %parallel_loop3A_337 = vector.broadcast %parallel_loop3A_336 : i32 to vector<16xi32>
      %parallel_loop3A_338 = arith.constant 0 : i32
      %parallel_loop3A_339 = vector.broadcast %parallel_loop3A_338 : i32 to vector<16xi32>
      %parallel_loop3A_340 = arith.cmpi slt, %parallel_loop3A_337, %parallel_loop3A_339 : vector<16xi32>
      %parallel_loop3A_341 = arith.constant 16 : i32
      %parallel_loop3A_342 = vector.broadcast %parallel_loop3A_341 : i32 to vector<16xi32>
      %parallel_loop3A_343 = arith.addi %parallel_loop3A_337, %parallel_loop3A_342 : vector<16xi32>
      %parallel_loop3A_344 = arith.select %parallel_loop3A_340, %parallel_loop3A_343, %parallel_loop3A_337 : vector<16xi1>, vector<16xi32>
      %parallel_loop3A_345 = vector.shape_cast %parallel_loop3A_344 : vector<16xi32> to vector<16x1xi32>
      %parallel_loop3A_346 = vector.shape_cast %parallel_loop3A_345 : vector<16x1xi32> to vector<16xi32>
      %parallel_loop3A_347 = tpu.dynamic_gather %parallel_loop3A_35[%parallel_loop3A_346] in [0] : vector<16xi32>, vector<16xi32> -> vector<16xi32>
      %parallel_loop3A_348 = arith.shli %parallel_loop3A_347, %iota3A : vector<16xi32>
      %parallel_loop3A_349 = arith.constant 31 : i32
      %parallel_loop3A_350 = vector.broadcast %parallel_loop3A_349 : i32 to vector<16xi32>
      %parallel_loop3A_351 = arith.shrsi %parallel_loop3A_348, %parallel_loop3A_350 : vector<16xi32>
      %parallel_loop3A_352 = arith.andi %parallel_loop3A_351, %broadcast_in_dim3A_21 : vector<16xi32>
      %parallel_loop3A_353 = arith.shli %parallel_loop3A_347, %add3A_20 : vector<16xi32>
      %parallel_loop3A_354 = arith.constant 31 : i32
      %parallel_loop3A_355 = vector.broadcast %parallel_loop3A_354 : i32 to vector<16xi32>
      %parallel_loop3A_356 = arith.shrsi %parallel_loop3A_353, %parallel_loop3A_355 : vector<16xi32>
      %parallel_loop3A_357 = arith.andi %parallel_loop3A_356, %broadcast_in_dim3A_21 : vector<16xi32>
      %parallel_loop3A_358 = vector.bitcast %parallel_loop3A_352 : vector<16xi32> to vector<16xf32>
      %parallel_loop3A_359 = arith.index_cast %parallel_loop3A_24 : i32 to index
      %parallel_loop3A_360 = arith.constant 320 : index
      %parallel_loop3A_361 = tpu.vector_load %arg8[%parallel_loop3A_359, %parallel_loop3A_360] {strides = array<i32>} : memref<32x512xf32, #tpu.memory_space<vmem>>, vector<16xf32>,
      tpu.vector_store %arg8[%parallel_loop3A_359, %parallel_loop3A_360], %parallel_loop3A_358 {strides = array<i32>} : memref<32x512xf32, #tpu.memory_space<vmem>>, vector<16xf32>,
      %parallel_loop3A_362 = vector.bitcast %parallel_loop3A_357 : vector<16xi32> to vector<16xf32>
      %parallel_loop3A_363 = arith.index_cast %parallel_loop3A_24 : i32 to index
      %parallel_loop3A_364 = arith.constant 336 : index
      %parallel_loop3A_365 = tpu.vector_load %arg8[%parallel_loop3A_363, %parallel_loop3A_364] {strides = array<i32>} : memref<32x512xf32, #tpu.memory_space<vmem>>, vector<16xf32>,
      tpu.vector_store %arg8[%parallel_loop3A_363, %parallel_loop3A_364], %parallel_loop3A_362 {strides = array<i32>} : memref<32x512xf32, #tpu.memory_space<vmem>>, vector<16xf32>,
      %parallel_loop3A_366 = arith.constant 11 : i32
      %parallel_loop3A_367 = vector.broadcast %parallel_loop3A_366 : i32 to vector<16xi32>
      %parallel_loop3A_368 = arith.constant 0 : i32
      %parallel_loop3A_369 = vector.broadcast %parallel_loop3A_368 : i32 to vector<16xi32>
      %parallel_loop3A_370 = arith.cmpi slt, %parallel_loop3A_367, %parallel_loop3A_369 : vector<16xi32>
      %parallel_loop3A_371 = arith.constant 16 : i32
      %parallel_loop3A_372 = vector.broadcast %parallel_loop3A_371 : i32 to vector<16xi32>
      %parallel_loop3A_373 = arith.addi %parallel_loop3A_367, %parallel_loop3A_372 : vector<16xi32>
      %parallel_loop3A_374 = arith.select %parallel_loop3A_370, %parallel_loop3A_373, %parallel_loop3A_367 : vector<16xi1>, vector<16xi32>
      %parallel_loop3A_375 = vector.shape_cast %parallel_loop3A_374 : vector<16xi32> to vector<16x1xi32>
      %parallel_loop3A_376 = vector.shape_cast %parallel_loop3A_375 : vector<16x1xi32> to vector<16xi32>
      %parallel_loop3A_377 = tpu.dynamic_gather %parallel_loop3A_35[%parallel_loop3A_376] in [0] : vector<16xi32>, vector<16xi32> -> vector<16xi32>
      %parallel_loop3A_378 = arith.shli %parallel_loop3A_377, %iota3A : vector<16xi32>
      %parallel_loop3A_379 = arith.constant 31 : i32
      %parallel_loop3A_380 = vector.broadcast %parallel_loop3A_379 : i32 to vector<16xi32>
      %parallel_loop3A_381 = arith.shrsi %parallel_loop3A_378, %parallel_loop3A_380 : vector<16xi32>
      %parallel_loop3A_382 = arith.andi %parallel_loop3A_381, %broadcast_in_dim3A_21 : vector<16xi32>
      %parallel_loop3A_383 = arith.shli %parallel_loop3A_377, %add3A_20 : vector<16xi32>
      %parallel_loop3A_384 = arith.constant 31 : i32
      %parallel_loop3A_385 = vector.broadcast %parallel_loop3A_384 : i32 to vector<16xi32>
      %parallel_loop3A_386 = arith.shrsi %parallel_loop3A_383, %parallel_loop3A_385 : vector<16xi32>
      %parallel_loop3A_387 = arith.andi %parallel_loop3A_386, %broadcast_in_dim3A_21 : vector<16xi32>
      %parallel_loop3A_388 = vector.bitcast %parallel_loop3A_382 : vector<16xi32> to vector<16xf32>
      %parallel_loop3A_389 = arith.index_cast %parallel_loop3A_24 : i32 to index
      %parallel_loop3A_390 = arith.constant 352 : index
      %parallel_loop3A_391 = tpu.vector_load %arg8[%parallel_loop3A_389, %parallel_loop3A_390] {strides = array<i32>} : memref<32x512xf32, #tpu.memory_space<vmem>>, vector<16xf32>,
      tpu.vector_store %arg8[%parallel_loop3A_389, %parallel_loop3A_390], %parallel_loop3A_388 {strides = array<i32>} : memref<32x512xf32, #tpu.memory_space<vmem>>, vector<16xf32>,
      %parallel_loop3A_392 = vector.bitcast %parallel_loop3A_387 : vector<16xi32> to vector<16xf32>
      %parallel_loop3A_393 = arith.index_cast %parallel_loop3A_24 : i32 to index
      %parallel_loop3A_394 = arith.constant 368 : index
      %parallel_loop3A_395 = tpu.vector_load %arg8[%parallel_loop3A_393, %parallel_loop3A_394] {strides = array<i32>} : memref<32x512xf32, #tpu.memory_space<vmem>>, vector<16xf32>,
      tpu.vector_store %arg8[%parallel_loop3A_393, %parallel_loop3A_394], %parallel_loop3A_392 {strides = array<i32>} : memref<32x512xf32, #tpu.memory_space<vmem>>, vector<16xf32>,
      %parallel_loop3A_396 = arith.constant 12 : i32
      %parallel_loop3A_397 = vector.broadcast %parallel_loop3A_396 : i32 to vector<16xi32>
      %parallel_loop3A_398 = arith.constant 0 : i32
      %parallel_loop3A_399 = vector.broadcast %parallel_loop3A_398 : i32 to vector<16xi32>
      %parallel_loop3A_400 = arith.cmpi slt, %parallel_loop3A_397, %parallel_loop3A_399 : vector<16xi32>
      %parallel_loop3A_401 = arith.constant 16 : i32
      %parallel_loop3A_402 = vector.broadcast %parallel_loop3A_401 : i32 to vector<16xi32>
      %parallel_loop3A_403 = arith.addi %parallel_loop3A_397, %parallel_loop3A_402 : vector<16xi32>
      %parallel_loop3A_404 = arith.select %parallel_loop3A_400, %parallel_loop3A_403, %parallel_loop3A_397 : vector<16xi1>, vector<16xi32>
      %parallel_loop3A_405 = vector.shape_cast %parallel_loop3A_404 : vector<16xi32> to vector<16x1xi32>
      %parallel_loop3A_406 = vector.shape_cast %parallel_loop3A_405 : vector<16x1xi32> to vector<16xi32>
      %parallel_loop3A_407 = tpu.dynamic_gather %parallel_loop3A_35[%parallel_loop3A_406] in [0] : vector<16xi32>, vector<16xi32> -> vector<16xi32>
      %parallel_loop3A_408 = arith.shli %parallel_loop3A_407, %iota3A : vector<16xi32>
      %parallel_loop3A_409 = arith.constant 31 : i32
      %parallel_loop3A_410 = vector.broadcast %parallel_loop3A_409 : i32 to vector<16xi32>
      %parallel_loop3A_411 = arith.shrsi %parallel_loop3A_408, %parallel_loop3A_410 : vector<16xi32>
      %parallel_loop3A_412 = arith.andi %parallel_loop3A_411, %broadcast_in_dim3A_21 : vector<16xi32>
      %parallel_loop3A_413 = arith.shli %parallel_loop3A_407, %add3A_20 : vector<16xi32>
      %parallel_loop3A_414 = arith.constant 31 : i32
      %parallel_loop3A_415 = vector.broadcast %parallel_loop3A_414 : i32 to vector<16xi32>
      %parallel_loop3A_416 = arith.shrsi %parallel_loop3A_413, %parallel_loop3A_415 : vector<16xi32>
      %parallel_loop3A_417 = arith.andi %parallel_loop3A_416, %broadcast_in_dim3A_21 : vector<16xi32>
      %parallel_loop3A_418 = vector.bitcast %parallel_loop3A_412 : vector<16xi32> to vector<16xf32>
      %parallel_loop3A_419 = arith.index_cast %parallel_loop3A_24 : i32 to index
      %parallel_loop3A_420 = arith.constant 384 : index
      %parallel_loop3A_421 = tpu.vector_load %arg8[%parallel_loop3A_419, %parallel_loop3A_420] {strides = array<i32>} : memref<32x512xf32, #tpu.memory_space<vmem>>, vector<16xf32>,
      tpu.vector_store %arg8[%parallel_loop3A_419, %parallel_loop3A_420], %parallel_loop3A_418 {strides = array<i32>} : memref<32x512xf32, #tpu.memory_space<vmem>>, vector<16xf32>,
      %parallel_loop3A_422 = vector.bitcast %parallel_loop3A_417 : vector<16xi32> to vector<16xf32>
      %parallel_loop3A_423 = arith.index_cast %parallel_loop3A_24 : i32 to index
      %parallel_loop3A_424 = arith.constant 400 : index
      %parallel_loop3A_425 = tpu.vector_load %arg8[%parallel_loop3A_423, %parallel_loop3A_424] {strides = array<i32>} : memref<32x512xf32, #tpu.memory_space<vmem>>, vector<16xf32>,
      tpu.vector_store %arg8[%parallel_loop3A_423, %parallel_loop3A_424], %parallel_loop3A_422 {strides = array<i32>} : memref<32x512xf32, #tpu.memory_space<vmem>>, vector<16xf32>,
      %parallel_loop3A_426 = arith.constant 13 : i32
      %parallel_loop3A_427 = vector.broadcast %parallel_loop3A_426 : i32 to vector<16xi32>
      %parallel_loop3A_428 = arith.constant 0 : i32
      %parallel_loop3A_429 = vector.broadcast %parallel_loop3A_428 : i32 to vector<16xi32>
      %parallel_loop3A_430 = arith.cmpi slt, %parallel_loop3A_427, %parallel_loop3A_429 : vector<16xi32>
      %parallel_loop3A_431 = arith.constant 16 : i32
      %parallel_loop3A_432 = vector.broadcast %parallel_loop3A_431 : i32 to vector<16xi32>
      %parallel_loop3A_433 = arith.addi %parallel_loop3A_427, %parallel_loop3A_432 : vector<16xi32>
      %parallel_loop3A_434 = arith.select %parallel_loop3A_430, %parallel_loop3A_433, %parallel_loop3A_427 : vector<16xi1>, vector<16xi32>
      %parallel_loop3A_435 = vector.shape_cast %parallel_loop3A_434 : vector<16xi32> to vector<16x1xi32>
      %parallel_loop3A_436 = vector.shape_cast %parallel_loop3A_435 : vector<16x1xi32> to vector<16xi32>
      %parallel_loop3A_437 = tpu.dynamic_gather %parallel_loop3A_35[%parallel_loop3A_436] in [0] : vector<16xi32>, vector<16xi32> -> vector<16xi32>
      %parallel_loop3A_438 = arith.shli %parallel_loop3A_437, %iota3A : vector<16xi32>
      %parallel_loop3A_439 = arith.constant 31 : i32
      %parallel_loop3A_440 = vector.broadcast %parallel_loop3A_439 : i32 to vector<16xi32>
      %parallel_loop3A_441 = arith.shrsi %parallel_loop3A_438, %parallel_loop3A_440 : vector<16xi32>
      %parallel_loop3A_442 = arith.andi %parallel_loop3A_441, %broadcast_in_dim3A_21 : vector<16xi32>
      %parallel_loop3A_443 = arith.shli %parallel_loop3A_437, %add3A_20 : vector<16xi32>
      %parallel_loop3A_444 = arith.constant 31 : i32
      %parallel_loop3A_445 = vector.broadcast %parallel_loop3A_444 : i32 to vector<16xi32>
      %parallel_loop3A_446 = arith.shrsi %parallel_loop3A_443, %parallel_loop3A_445 : vector<16xi32>
      %parallel_loop3A_447 = arith.andi %parallel_loop3A_446, %broadcast_in_dim3A_21 : vector<16xi32>
      %parallel_loop3A_448 = vector.bitcast %parallel_loop3A_442 : vector<16xi32> to vector<16xf32>
      %parallel_loop3A_449 = arith.index_cast %parallel_loop3A_24 : i32 to index
      %parallel_loop3A_450 = arith.constant 416 : index
      %parallel_loop3A_451 = tpu.vector_load %arg8[%parallel_loop3A_449, %parallel_loop3A_450] {strides = array<i32>} : memref<32x512xf32, #tpu.memory_space<vmem>>, vector<16xf32>,
      tpu.vector_store %arg8[%parallel_loop3A_449, %parallel_loop3A_450], %parallel_loop3A_448 {strides = array<i32>} : memref<32x512xf32, #tpu.memory_space<vmem>>, vector<16xf32>,
      %parallel_loop3A_452 = vector.bitcast %parallel_loop3A_447 : vector<16xi32> to vector<16xf32>
      %parallel_loop3A_453 = arith.index_cast %parallel_loop3A_24 : i32 to index
      %parallel_loop3A_454 = arith.constant 432 : index
      %parallel_loop3A_455 = tpu.vector_load %arg8[%parallel_loop3A_453, %parallel_loop3A_454] {strides = array<i32>} : memref<32x512xf32, #tpu.memory_space<vmem>>, vector<16xf32>,
      tpu.vector_store %arg8[%parallel_loop3A_453, %parallel_loop3A_454], %parallel_loop3A_452 {strides = array<i32>} : memref<32x512xf32, #tpu.memory_space<vmem>>, vector<16xf32>,
      %parallel_loop3A_456 = arith.constant 14 : i32
      %parallel_loop3A_457 = vector.broadcast %parallel_loop3A_456 : i32 to vector<16xi32>
      %parallel_loop3A_458 = arith.constant 0 : i32
      %parallel_loop3A_459 = vector.broadcast %parallel_loop3A_458 : i32 to vector<16xi32>
      %parallel_loop3A_460 = arith.cmpi slt, %parallel_loop3A_457, %parallel_loop3A_459 : vector<16xi32>
      %parallel_loop3A_461 = arith.constant 16 : i32
      %parallel_loop3A_462 = vector.broadcast %parallel_loop3A_461 : i32 to vector<16xi32>
      %parallel_loop3A_463 = arith.addi %parallel_loop3A_457, %parallel_loop3A_462 : vector<16xi32>
      %parallel_loop3A_464 = arith.select %parallel_loop3A_460, %parallel_loop3A_463, %parallel_loop3A_457 : vector<16xi1>, vector<16xi32>
      %parallel_loop3A_465 = vector.shape_cast %parallel_loop3A_464 : vector<16xi32> to vector<16x1xi32>
      %parallel_loop3A_466 = vector.shape_cast %parallel_loop3A_465 : vector<16x1xi32> to vector<16xi32>
      %parallel_loop3A_467 = tpu.dynamic_gather %parallel_loop3A_35[%parallel_loop3A_466] in [0] : vector<16xi32>, vector<16xi32> -> vector<16xi32>
      %parallel_loop3A_468 = arith.shli %parallel_loop3A_467, %iota3A : vector<16xi32>
      %parallel_loop3A_469 = arith.constant 31 : i32
      %parallel_loop3A_470 = vector.broadcast %parallel_loop3A_469 : i32 to vector<16xi32>
      %parallel_loop3A_471 = arith.shrsi %parallel_loop3A_468, %parallel_loop3A_470 : vector<16xi32>
      %parallel_loop3A_472 = arith.andi %parallel_loop3A_471, %broadcast_in_dim3A_21 : vector<16xi32>
      %parallel_loop3A_473 = arith.shli %parallel_loop3A_467, %add3A_20 : vector<16xi32>
      %parallel_loop3A_474 = arith.constant 31 : i32
      %parallel_loop3A_475 = vector.broadcast %parallel_loop3A_474 : i32 to vector<16xi32>
      %parallel_loop3A_476 = arith.shrsi %parallel_loop3A_473, %parallel_loop3A_475 : vector<16xi32>
      %parallel_loop3A_477 = arith.andi %parallel_loop3A_476, %broadcast_in_dim3A_21 : vector<16xi32>
      %parallel_loop3A_478 = vector.bitcast %parallel_loop3A_472 : vector<16xi32> to vector<16xf32>
      %parallel_loop3A_479 = arith.index_cast %parallel_loop3A_24 : i32 to index
      %parallel_loop3A_480 = arith.constant 448 : index
      %parallel_loop3A_481 = tpu.vector_load %arg8[%parallel_loop3A_479, %parallel_loop3A_480] {strides = array<i32>} : memref<32x512xf32, #tpu.memory_space<vmem>>, vector<16xf32>,
      tpu.vector_store %arg8[%parallel_loop3A_479, %parallel_loop3A_480], %parallel_loop3A_478 {strides = array<i32>} : memref<32x512xf32, #tpu.memory_space<vmem>>, vector<16xf32>,
      %parallel_loop3A_482 = vector.bitcast %parallel_loop3A_477 : vector<16xi32> to vector<16xf32>
      %parallel_loop3A_483 = arith.index_cast %parallel_loop3A_24 : i32 to index
      %parallel_loop3A_484 = arith.constant 464 : index
      %parallel_loop3A_485 = tpu.vector_load %arg8[%parallel_loop3A_483, %parallel_loop3A_484] {strides = array<i32>} : memref<32x512xf32, #tpu.memory_space<vmem>>, vector<16xf32>,
      tpu.vector_store %arg8[%parallel_loop3A_483, %parallel_loop3A_484], %parallel_loop3A_482 {strides = array<i32>} : memref<32x512xf32, #tpu.memory_space<vmem>>, vector<16xf32>,
      %parallel_loop3A_486 = arith.constant 15 : i32
      %parallel_loop3A_487 = vector.broadcast %parallel_loop3A_486 : i32 to vector<16xi32>
      %parallel_loop3A_488 = arith.constant 0 : i32
      %parallel_loop3A_489 = vector.broadcast %parallel_loop3A_488 : i32 to vector<16xi32>
      %parallel_loop3A_490 = arith.cmpi slt, %parallel_loop3A_487, %parallel_loop3A_489 : vector<16xi32>
      %parallel_loop3A_491 = arith.constant 16 : i32
      %parallel_loop3A_492 = vector.broadcast %parallel_loop3A_491 : i32 to vector<16xi32>
      %parallel_loop3A_493 = arith.addi %parallel_loop3A_487, %parallel_loop3A_492 : vector<16xi32>
      %parallel_loop3A_494 = arith.select %parallel_loop3A_490, %parallel_loop3A_493, %parallel_loop3A_487 : vector<16xi1>, vector<16xi32>
      %parallel_loop3A_495 = vector.shape_cast %parallel_loop3A_494 : vector<16xi32> to vector<16x1xi32>
      %parallel_loop3A_496 = vector.shape_cast %parallel_loop3A_495 : vector<16x1xi32> to vector<16xi32>
      %parallel_loop3A_497 = tpu.dynamic_gather %parallel_loop3A_35[%parallel_loop3A_496] in [0] : vector<16xi32>, vector<16xi32> -> vector<16xi32>
      %parallel_loop3A_498 = arith.shli %parallel_loop3A_497, %iota3A : vector<16xi32>
      %parallel_loop3A_499 = arith.constant 31 : i32
      %parallel_loop3A_500 = vector.broadcast %parallel_loop3A_499 : i32 to vector<16xi32>
      %parallel_loop3A_501 = arith.shrsi %parallel_loop3A_498, %parallel_loop3A_500 : vector<16xi32>
      %parallel_loop3A_502 = arith.andi %parallel_loop3A_501, %broadcast_in_dim3A_21 : vector<16xi32>
      %parallel_loop3A_503 = arith.shli %parallel_loop3A_497, %add3A_20 : vector<16xi32>
      %parallel_loop3A_504 = arith.constant 31 : i32
      %parallel_loop3A_505 = vector.broadcast %parallel_loop3A_504 : i32 to vector<16xi32>
      %parallel_loop3A_506 = arith.shrsi %parallel_loop3A_503, %parallel_loop3A_505 : vector<16xi32>
      %parallel_loop3A_507 = arith.andi %parallel_loop3A_506, %broadcast_in_dim3A_21 : vector<16xi32>
      %parallel_loop3A_508 = vector.bitcast %parallel_loop3A_502 : vector<16xi32> to vector<16xf32>
      %parallel_loop3A_509 = arith.index_cast %parallel_loop3A_24 : i32 to index
      %parallel_loop3A_510 = arith.constant 480 : index
      %parallel_loop3A_511 = tpu.vector_load %arg8[%parallel_loop3A_509, %parallel_loop3A_510] {strides = array<i32>} : memref<32x512xf32, #tpu.memory_space<vmem>>, vector<16xf32>,
      tpu.vector_store %arg8[%parallel_loop3A_509, %parallel_loop3A_510], %parallel_loop3A_508 {strides = array<i32>} : memref<32x512xf32, #tpu.memory_space<vmem>>, vector<16xf32>,
      %parallel_loop3A_512 = vector.bitcast %parallel_loop3A_507 : vector<16xi32> to vector<16xf32>
      %parallel_loop3A_513 = arith.index_cast %parallel_loop3A_24 : i32 to index
      %parallel_loop3A_514 = arith.constant 496 : index
      %parallel_loop3A_515 = tpu.vector_load %arg8[%parallel_loop3A_513, %parallel_loop3A_514] {strides = array<i32>} : memref<32x512xf32, #tpu.memory_space<vmem>>, vector<16xf32>,
      tpu.vector_store %arg8[%parallel_loop3A_513, %parallel_loop3A_514], %parallel_loop3A_512 {strides = array<i32>} : memref<32x512xf32, #tpu.memory_space<vmem>>, vector<16xf32>,
    } {sc.loop_unroll_factor = 4 : i64, sc.parallel_access}
    "tpu.region"() ({
      %run_scoped3A = tpu.sem_alloc : memref<!tpu.dma_semaphore, #tpu.memory_space<semaphore_mem>>
      %dma_start3A_24 = arith.constant 0 : i32
      %dma_start3A_25 = tpu.memref_slice %arg4[%mul3A_2, %dma_start3A_24] : memref<1024x512xf32, #tpu.memory_space<hbm>> -> memref<32x512xf32, #tpu.memory_space<hbm>>
      %dma_start3A_26 = arith.constant 0 : i32
      %dma_start3A_27 = tpu.memref_slice %arg4[%mul3A_2, %dma_start3A_26] : memref<1024x512xf32, #tpu.memory_space<hbm>> -> memref<32x512xf32, #tpu.memory_space<hbm>>
      tpu.enqueue_dma source(%arg8 : memref<32x512xf32, #tpu.memory_space<vmem>>) target(%dma_start3A_27 : memref<32x512xf32, #tpu.memory_space<hbm>>) target_semaphore(%run_scoped3A : memref<!tpu.dma_semaphore, #tpu.memory_space<semaphore_mem>>)
      %dma_wait3A_28 = arith.constant 0 : i32
      %dma_wait3A_29 = tpu.memref_slice %arg4[%mul3A_2, %dma_wait3A_28] : memref<1024x512xf32, #tpu.memory_space<hbm>> -> memref<32x512xf32, #tpu.memory_space<hbm>>
      %dma_wait3A_30 = arith.constant 0 : i32
      %dma_wait3A_31 = tpu.memref_slice %arg4[%mul3A_2, %dma_wait3A_30] : memref<1024x512xf32, #tpu.memory_space<hbm>> -> memref<32x512xf32, #tpu.memory_space<hbm>>
      tpu.wait_dma2 semaphore(%run_scoped3A : memref<!tpu.dma_semaphore, #tpu.memory_space<semaphore_mem>>) src(%arg8 : memref<32x512xf32, #tpu.memory_space<vmem>>) dst(%dma_wait3A_31 : memref<32x512xf32, #tpu.memory_space<hbm>>)
      tpu.yield
    }) : () -> ()
    return
  }
}

</mosaic_0001>

<sc_bundles>
// kernel: kernel.3.cloned.1.call-start
scs
__scs_entry_jumppad:
0x0: {  	(pc) =	sbr.rel $0x88, $3  }
0x1: {  	(tag) =	ssettag $0x0;
	lr =	simm.s32 $0x1  }
0x2: {  	[smem:$0x3F9F] =	sst lr;
	_ =	strace $0xD0000000  }
0x3: {  	_ = 	snop  }
0x4: {  	_ = 	snop  }
0x5: {  	_ = 	snop  }
0x6: {  	_ = 	snop  }
0x7: {  	_ = 	snop  }
__scs_overlays_trampoline_lowered:
0x8: {  	[smem:$0x3FAE] =	sst s0  }
0x9: {  	[smem:$0x3FAF] =	sst s1  }
0xa: {  	[smem:$0x3FB0] =	sst s2  }
0xb: {  	[smem:$0x3FB1] =	sst s3  }
0xc: {  	[smem:$0x3FB2] =	sst s4  }
0xd: {  	[smem:$0x3FB3] =	sst s5  }
0xe: {  	[smem:$0x3FB4] =	sst s6  }
0xf: {  	[smem:$0x3FB5] =	sst s7  }
0x10: {  	[smem:$0x3FB6] =	sst s8  }
0x11: {  	[smem:$0x3FB7] =	sst s9;
	s0 =	simm.s32 @!p0 $0x0  }
0x12: {  	s1 =	sld [smem:$0x3F9D];
	s0 =	simm.s32 @p0 $0x1  }
0x13: {  	[smem:$0x3FB8] =	sst s0;
	s0 =	simm.s32 @!p1 $0x0  }
0x14: {  	s2 =	sld [smem:$0x3F9C];
	s0 =	simm.s32 @p1 $0x1  }
0x15: {  	[smem:$0x3FB9] =	sst s0;
	s0 =	simm.s32 @!p2 $0x0  }
0x16: {  	s3 =	sld [smem:$0x3FDB];
	s0 =	simm.s32 @p2 $0x1  }
0x17: {  	s4 =	simm.s32 $0x1BF5;
	[smem:$0x3FBB] =	sst s0  }
0x18: {  	s0 =	sld [smem:$0x3F9E];
	_ =	swait.ge [sflag:s4], $0x0  }
0x19: {  	s7 =	sld [smem:$0x3F9F]  }
0x1a: {  	s8 =	sadd.s32 $0xFFFFE003, lr  }
0x1b: {  	s9 =	sadd.s32 $0xFFFFFEF7, lr;
	s5 =	simm.s32 $0xFFFFFFFF;
	p2 =	slt.u32 s8, $0xFFFFF086  }
0x1c: {  	p1 =	slt.u32 s9, $0xF7A;
	s5 =	simm.s32 @!p2 $0x0  }
0x1d: {  	s5 =	simm.s32 @p1 $0x1;
	p0 =	seq.s32 s7, s2  }
0x1e: {  	s7 =	smul.u32 @!p0 $0xF7A, s2;
	p2 =	seq.s32 @!p0 s5, $0x0  }
0x1f: {  	s9 =	smul.u32 $0xF7A, s1;
	s8 =	simm.s32 @!p0 $0x1BF5;
	p2 =	por !p2, p0  }
0x20: {  	[sflag:s8] =	ssyncset.s32 @!p0 $0xFFFFF086;
	s6 =	sadd.s32 @!p0 s3, s7;
	s7 =	simm.s32 @!p0 $0x108  }
0x21: {  	s3 =	sadd.s32 s3, s9;
	s6 =	sadd.s32 @!p0 $0x88, s6;
	s7 =	simm.s32 @p2 $0x1082  }
0x22: {  	[simem:s7], [sflag:s8] =	dma.local @!p0 [hbm:s6], $0xF7A  }
0x23: {  	s9 =	sor.u32 $0xD0000000, s2;
	s6 =	simm.s32 $0x108;
	_ =	swait.ge @!p0 [sflag:s8], $0x0  }
0x24: {  	s3 =	sadd.s32 $0x88, s3;
	s6 =	simm.s32 @!p1 $0x1082;
	[sflag:s4] =	ssyncset.s32 $0xFFFFF086  }
0x25: {  	[simem:s6], [sflag:s4] =	dma.local [hbm:s3], $0xF7A  }
0x26: {  	[smem:$0x3F9F] =	sst s1;
	(tag) =	ssettag s2;
	_ =	strace s9  }
0x27: {  	s1 =	sld [smem:$0x3FAF]  }
0x28: {  	s2 =	sld [smem:$0x3FB0]  }
0x29: {  	s4 =	sld [smem:$0x3FB2]  }
0x2a: {  	p0 =	seq.s32 s5, $0x0;
	s5 =	sld [smem:$0x3FB3]  }
0x2b: {  	s6 =	sld [smem:$0x3FB4]  }
0x2c: {  	s7 =	sld [smem:$0x3FB5]  }
0x2d: {  	s3 =	simm.s32 $0x108;
	s8 =	sld [smem:$0x3FB6]  }
0x2e: {  	s3 =	simm.s32 @!p0 $0x1082;
	s9 =	sld [smem:$0x3FB7]  }
0x2f: {  	lr =	sadd.s32 s0, s3;
	s0 =	sld [smem:$0x3FAE]  }
0x30: {  	s3 =	sld [smem:$0x3FB1]  }
0x31: {  	[smem:$0x3FBA] =	sst s10  }
0x32: {  	s10 =	sld [smem:$0x3FB8];
	_ =	sdelay $0x3  }
0x33: {  	p0 =	seq.s32 s10, $0x1;
	s10 =	sld [smem:$0x3FBA];
	_ =	sdelay $0x3  }
0x34: {  	[smem:$0x3FBA] =	sst s10  }
0x35: {  	s10 =	sld [smem:$0x3FB9];
	_ =	sdelay $0x3  }
0x36: {  	p1 =	seq.s32 s10, $0x1;
	s10 =	sld [smem:$0x3FBA];
	_ =	sdelay $0x3  }
0x37: {  	[smem:$0x3FBA] =	sst s10  }
0x38: {  	s10 =	sld [smem:$0x3FBB]  }
0x39: {  	_ = 	snop;
	(pc) =	sbr.ind lr, $3  }
0x3a: {  	_ = 	snop  }
0x3b: {  	_ = 	snop  }
0x3c: {  	p2 =	seq.s32 s10, $0x1;
	s10 =	sld [smem:$0x3FBA]  }
0x3d: {  	_ =	shalt  }
0x3e: {  	_ =	shalt  }
0x3f: {  	_ =	shalt  }
0x40: {  	_ =	shalt  }
0x41: {  	_ =	shalt  }
0x42: {  	_ =	shalt  }
0x43: {  	_ =	shalt  }
0x44: {  	_ =	shalt  }
0x45: {  	_ =	shalt  }
0x46: {  	_ =	shalt  }
0x47: {  	_ =	shalt  }
0x48: {  	_ =	shalt  }
0x49: {  	_ =	shalt  }
0x4a: {  	_ =	shalt  }
0x4b: {  	_ =	shalt  }
0x4c: {  	_ =	shalt  }
0x4d: {  	_ =	shalt  }
0x4e: {  	_ =	shalt  }
0x4f: {  	_ =	shalt  }
0x50: {  	_ =	shalt  }
0x51: {  	_ =	shalt  }
0x52: {  	_ =	shalt  }
0x53: {  	_ =	shalt  }
0x54: {  	_ =	shalt  }
0x55: {  	_ =	shalt  }
0x56: {  	_ =	shalt  }
0x57: {  	_ =	shalt  }
0x58: {  	_ =	shalt  }
0x59: {  	_ =	shalt  }
0x5a: {  	_ =	shalt  }
0x5b: {  	_ =	shalt  }
0x5c: {  	_ =	shalt  }
0x5d: {  	_ =	shalt  }
0x5e: {  	_ =	shalt  }
0x5f: {  	_ =	shalt  }
0x60: {  	_ =	shalt  }
0x61: {  	_ =	shalt  }
0x62: {  	_ =	shalt  }
0x63: {  	_ =	shalt  }
0x64: {  	_ =	shalt  }
0x65: {  	_ =	shalt  }
0x66: {  	_ =	shalt  }
0x67: {  	_ =	shalt  }
0x68: {  	_ =	shalt  }
0x69: {  	_ =	shalt  }
0x6a: {  	_ =	shalt  }
0x6b: {  	_ =	shalt  }
0x6c: {  	_ =	shalt  }
0x6d: {  	_ =	shalt  }
0x6e: {  	_ =	shalt  }
0x6f: {  	_ =	shalt  }
0x70: {  	_ =	shalt  }
0x71: {  	_ =	shalt  }
0x72: {  	_ =	shalt  }
0x73: {  	_ =	shalt  }
0x74: {  	_ =	shalt  }
0x75: {  	_ =	shalt  }
0x76: {  	_ =	shalt  }
0x77: {  	_ =	shalt  }
0x78: {  	_ =	shalt  }
0x79: {  	_ =	shalt  }
0x7a: {  	_ =	shalt  }
0x7b: {  	_ =	shalt  }
0x7c: {  	_ =	shalt  }
0x7d: {  	_ =	shalt  }
0x7e: {  	_ =	shalt  }
0x7f: {  	_ =	shalt  }
0x80: {  	_ =	shalt  }
0x81: {  	_ =	shalt  }
0x82: {  	_ =	shalt  }
0x83: {  	_ =	shalt  }
0x84: {  	_ =	shalt  }
0x85: {  	_ =	shalt  }
0x86: {  	_ =	shalt  }
0x87: {  	_ =	shalt  }
.Lfunc_end0:
.L_simem_size_0:
called_computation_lowered:
.L_overlay_start_0:
0x88: {  	s2 =	sld [smem:$0x3FD9]  }
0x89: {  	s3 =	sld [smem:$0x3FFE];
	_ =	sdelay $0x1  }
0x8a: {  	s1 =	srdreg.scid  }
0x8b: {  	s0 =	sand.u32 $0x1, s1  }
0x8c: {  	s17 =	sshll.u32 s0, $0xA;
	s2 =	sadd.s32 s3, s2  }
0x8d: {  	s2 =	sadd.s32 s2, s17  }
0x8e: {  	[smem:$0x3FC6] =	sst s2  }
0x8f: {  	_ = 	snop  }
0x90: {  	s2 =	sld [smem:$0x3FD0];
	(tm) =	ssettm $0x1  }
0x91: {  	s18 =	sld [smem:$0x3FFB];
	_ =	sdelay $0x3  }
0x92: {  	_ =	strace s18  }
0x93: {  	s3 =	sld [smem:$0x3FFC];
	_ =	sdelay $0x3  }
0x94: {  	_ =	strace s3  }
0x95: {  	s3 =	sld [smem:$0x3FFD];
	_ =	sdelay $0x3  }
0x96: {  	_ =	strace s3  }
0x97: {  	_ =	strace $0x8FFFFFFF  }
0x98: {  	s19 =	sld [smem:$0x3FDB];
	_ =	sdelay $0x1  }
0x99: {  	s4 =	simm.s32 $_scs_section_size  }
0x9a: {  	s5 =	simm.s32 $_size__tile_overlayer_lowered;
	s6 =	simm.s32 $_tile_overlayer_lowered  }
0x9b: {  	s22 =	simm.s32 $0x1BFF;
	s21 =	sshll.u32 s6, $0x1;
	s3 =	sadd.s32 s4, s19  }
0x9c: {  	s7 =	simm.s32 $0x0;
	s20 =	sshll.u32 s5, $0x1;
	s5 =	sadd.s32 s21, s3  }
0x9d: {  	[timem:s7], [sflag:s22] =	dma.local [hbm:s5], s20  }
0x9e: {  	_ =	swait.ge [sflag:s22], s20  }
0x9f: {  	s4 =	ssub.s32 $0x0, s20;
	[sflag:s22] =	ssyncset.done $0x0  }
0xa0: {  	[sflag:s22] =	ssyncadd.s32 s4;
	_ =	sdelay $0x1  }
0xa1: {  	s23 =	simm.s32 $0x1B8B  }
0xa2: {  	_ =	swait.ge [sflag:s23], $0x1  }
0xa3: {  	[sflag:s23] =	ssyncset.done $0x0  }
0xa4: {  	s25 =	simm.s32 $0x1B8E;
	s24 =	sld [smem:$0x3FFE];
	[sflag:s23] =	ssyncadd.s32 $0xFFFFFFFF  }
0xa5: {  	s26 =	simm.s32 $execute0_lowered;
	[smem:$0x3FD2] =	sst s25  }
0xa6: {  	s5 =	sshll.u32 s26, $0x1;
	_ =	strace $0x80000046;
	[dreg:$0x1] =	wrdreg $0xFFFFFFFF  }
0xa7: {  	s28 =	simm.s32 $_size_execute0_lowered;
	s3 =	sadd.s32 s3, s5;
	[dreg:$0x0] =	wrdreg $0x0  }
0xa8: {  	s5 =	sshll.u32 s28, $0x1;
	[dreg:$0x2] =	wrdreg s3  }
0xa9: {  	[dreg:$0x3] =	wrdreg s5  }
0xaa: {  	[dreg:$0x4] =	wrdreg $0xC0  }
0xab: {  	_ =	task [dreg:s7], $0x5FFFF  }
0xac: {  	[dreg:$0x1] =	wrdreg $0xFFFFFFFF  }
0xad: {  	[dreg:$0x0] =	wrdreg $0x60  }
0xae: {  	[dreg:$0x2] =	wrdreg s24  }
0xaf: {  	[dreg:$0x3] =	wrdreg s2  }
0xb0: {  	[dreg:$0x4] =	wrdreg $0x9  }
0xb1: {  	_ =	task.clear_ibuf [dreg:s7], $0x5FFFF;
	_ =	strace $0x90000046  }
0xb2: {  	s29 =	simm.s32 $0x9;
	_ =	strace $0x80000048  }
0xb3: {  	_ =	swait.ge [sflag:s29], $0x1  }
0xb4: {  	[sflag:s29] =	ssyncadd.s32 $0xFFFFFFFF  }
0xb5: {  	_ =	strace $0x90000048  }
0xb6: {  	_ =	sfence  }
0xb7: {  	s30 =	sld [smem:$0x0];
	_ =	sdelay $0x2  }
0xb8: {  	s31 =	sshll.u32 s1, $0xD;
	s1 =	sshrl.u32 s1, $0x2  }
0xb9: {  	s3 =	sand.u32 $0x4000, s31;
	s1 =	sadd.s32 s1, s30  }
0xba: {  	s0 =	sor.u32 s3, s0;
	s1 =	sshll.u32 s1, $0x11  }
0xbb: {  	s0 =	sor.u32 s1, s0  }
0xbc: {  	s0 =	sadd.s32 $0x8F2B, s0  }
0xbd: {  	[sflag:s0] =	ssyncadd.remote.s32 $0x1  }
0xbe: {  	_ =	sfence.sel $0xFFFF  }
0xbf: {  	[dreg:$0x0] =	wrdreg $0xFFFFFFFF;
	(pc) =	sbr.abs _section_cstart, $3  }
0xc0: {  	[dreg:$0x1] =	wrdreg $0xFFFFFFFF  }
0xc1: {  	_ =	task.clear_ibuf [dreg:s7], $0x2FFFF;
	_ =	strace $0x9FFFFFFF  }
0xc2: {  	(tm) =	ssettm $0x7FFFFFFF  }
0xc3: {  	_ =	shalt  }
tec
execute0_lowered:
.L_overlay_start_1:
0x0: {  	(tag) =	ssettag $0x1  }
0x1: {  	s0 =	rddreg [dreg:$0x0];
	s1 =	srdreg.scid  }
0x2: {  	s2 =	stileid.u32;
	s4 =	simm.s32 $0x0;
	s1 =	sand.u32 $0x1, s1  }
0x3: {  	s2 =	sshll.u32 s2, $0x6;
	s3 =	sshll.u32 s1, $0x5;
	s1 =	ssub.s32 $0x2, s1  }
0x4: {  	v0 =	vlaneseq.u32;
	v8 =	vimm.s32 $0x7;
	v9 =	vimm.s32 $0x0;
	[smem:$0x7FF] =	sst s4;
	s2 =	sor.u32 s3, s2;
	s29 =	sshrl.u32 s1, $0x1  }
0x5: {  	v5 =	vimm.f32 $0.0e+00;
	v10 =	vimm.s32 $0x1;
	v11 =	vimm.s32 $0x2;
	_ =	strace $0x80000047;
	s3 =	sshrl.u32 s2, $0x3;
	s1 =	ssub.s32 s1, s29  }
0x6: {  	v12 =	vimm.s32 $0x3;
	v13 =	vimm.s32 $0x5;
	v14 =	vimm.s32 $0x6;
	s2 =	sshll.u32 s2, $0x6;
	s3 =	sadd.s32 s3, s0;
	s31 =	smax.u32 s1, $0x1  }
0x7: {  	v15 =	vimm.s32 $0x8;
	v16 =	vimm.s32 $0x9;
	v17 =	vimm.s32 $0xA;
	s0 =	sadd.s32 s2, s0;
	s30 =	sadd.s32 $0x400, s3;
	[smem:$0x7FD] =	sst s31  }
0x8: {  	s10 =	simm.s32 $0x100;
	v18 =	vimm.s32 $0xB;
	v19 =	vimm.s32 $0xC;
	v20 =	vimm.s32 $0xD;
	s0 =	sadd.s32 $0x600, s0;
	[smem:$0x7FB] =	sst s30  }
0x9: {  	v21 =	vimm.s32 $0xE;
	v23 =	vimm.s32 $0xF;
	v4 =	vor.u32 $0x10, v0;
	s1 =	simm.s32 $0x2;
	s2 =	simm.s32 $0x0;
	[smem:$0x7FC] =	sst s0  }
.LBB2_1:
0xa: {  	s0 =	sld [smem:$0x7FB];
	_ =	sdelay $0x1  }
0xb: {  	[smem:$0x7FA] =	sst s2;
	s4 =	simm.s32 $0x0  }
0xc: {  	[tilespmem:s4], [sflag:$0x2] =	stream.linear.gather [hbm4b:s0+s4], $0x20, $0x38;
	[tilespmem:$0x5100] =	vst v63  }
0xd: {  	_ =	swait.ge [sflag:s1], $0x20  }
0xe: {  	[sflag:s1] =	ssyncset.done $0x0  }
0xf: {  	[sflag:s1] =	ssyncadd.s32 $0xFFFFFFE0  }
0x10: {  	v0 =	vld [tilespmem:$0x0]  }
0x11: {  	v2 =	vld [tilespmem:$0x10];
	_ =	sdelay $0x3  }
0x12: {  	v0 =	vshra.s32 v0, $0x3  }
0x13: {  	s22 =	simm.s32 $0x20;
	[tilespmem:$0x80] =	vst v0;
	v0 =	vshra.s32 v2, $0x3  }
0x14: {  	s23 =	simm.s32 $0x80;
	s24 =	simm.s32 $0x1;
	s21 =	rddreg [dreg:$0x1];
	[tilespmem:$0x90] =	vst v0  }
0x15: {  	v0 =	vmov s4;
	[tilespmem:s10], [sflag:$0x1] =	stream.indirect.gather [hbm4b:s21+s22], $0x80, s23, s22, $0xb8;
	[tilespmem:$0x5100] =	vst v63  }
0x16: {  	_ =	swait.ge [sflag:s24], $0x1000  }
0x17: {  	[sflag:s24] =	ssyncset.done $0x0  }
0x18: {  	[sflag:s24] =	ssyncadd.s32 $0xFFFFF000  }
0x19: {  	[bflag:$0x0] =	sbarrier.arrive $0xFFFF  }
0x1a: {  	v2 =	vld.idx.msk [tilespmem:v0+s4+$0x0], $0xffff;
	_ =	sdelay $0x4  }
0x1b: {  	s25 =	simm.s32 $0x1;
	v2 =	vshll.u32 v2, $0x4  }
0x1c: {  	v3 =	vmov s25;
	v0 =	vshll.u32 v0, $0x7;
	v2 =	vand.u32 $0x70, v2  }
0x1d: {  	v1 =	vlaneseq.u32;
	v0 =	vor.u32 v0, v2  }
0x1e: {  	v0 =	vor.u32 v1, v0;
	_ =	sdelay $0x2  }
0x1f: {  	v2 =	vld.idx.msk [tilespmem:v3+s4+$0x0], $0xffff;
	_ =	sdelay $0x1  }
0x20: {  	v0 =	vld.idx.msk [tilespmem:v0+s10+$0x0], $0xffff  }
0x21: {  	s26 =	simm.s32 $0x3  }
0x22: {  	v6 =	vmov s26  }
0x23: {  	v2 =	vshll.u32 v2, $0x4  }
0x24: {  	v3 =	vshll.u32 v3, $0x7;
	v2 =	vand.u32 $0x70, v2  }
0x25: {  	v2 =	vor.u32 v3, v2;
	v3 =	vperm.xlane v0, v9;
	_ =	sdelay $0x1  }
0x26: {  	v7 =	vld.idx.msk [tilespmem:v6+s4+$0x0], $0xffff;
	[tilespmem:$0x1FE10] =	vst v3;
	v3 =	vperm.xlane v0, v10;
	_ =	sdelay $0x1  }
0x27: {  	[tilespmem:$0x1FE20] =	vst v3;
	v3 =	vperm.xlane v0, v11;
	_ =	sdelay $0x1  }
0x28: {  	[tilespmem:$0x1FE30] =	vst v3;
	v3 =	vperm.xlane v0, v12;
	_ =	sdelay $0x1  }
0x29: {  	[tilespmem:$0x1FE40] =	vst v3;
	v3 =	vshll.u32 v7, $0x4;
	v7 =	vimm.s32 $0x4  }
0x2a: {  	v2 =	vor.u32 v1, v2;
	v12 =	vperm.xlane v0, v7;
	_ =	sdelay $0x1  }
0x2b: {  	[tilespmem:$0x1FE50] =	vst v12;
	v12 =	vperm.xlane v0, v13;
	_ =	sdelay $0x1  }
0x2c: {  	[tilespmem:$0x1FE60] =	vst v12  }
0x2d: {  	v12 =	vld.idx.msk [tilespmem:v2+s10+$0x0], $0xffff;
	v2 =	vperm.xlane v0, v14  }
0x2e: {  	v6 =	vshll.u32 v6, $0x7;
	v3 =	vand.u32 $0x70, v3  }
0x2f: {  	[tilespmem:$0x1FE70] =	vst v2;
	v2 =	vor.u32 v6, v3;
	v3 =	vperm.xlane v0, v8;
	_ =	sdelay $0x1  }
0x30: {  	[tilespmem:$0x1FE80] =	vst v3;
	v3 =	vperm.xlane v0, v15;
	_ =	sdelay $0x1  }
0x31: {  	[tilespmem:$0x1FE90] =	vst v3;
	v3 =	vperm.xlane v0, v16;
	_ =	sdelay $0x1  }
0x32: {  	[tilespmem:$0x1FEA0] =	vst v3;
	v3 =	vperm.xlane v0, v17  }
0x33: {  	v6 =	vperm.xlane v0, v20  }
0x34: {  	[tilespmem:$0x1FEB0] =	vst v3;
	v3 =	vperm.xlane v0, v18  }
0x35: {  	v30 =	vimm.s32 $0x5;
	v2 =	vor.u32 v1, v2;
	[tilespmem:$0x1FF00] =	vst v6;
	v6 =	vperm.xlane v0, v21  }
0x36: {  	v26 =	vimm.s32 $0x6;
	v24 =	vimm.s32 $0x1;
	[tilespmem:$0x1FEC0] =	vst v3;
	v3 =	vperm.xlane v0, v19  }
0x37: {  	v25 =	vimm.s32 $0x7;
	v28 =	vimm.s32 $0xD;
	[tilespmem:$0x1FF90] =	vst v6;
	v0 =	vperm.xlane v0, v23  }
0x38: {  	v27 =	vimm.s32 $0xE;
	v37 =	vimm.s32 $0x8;
	v36 =	vimm.s32 $0xC;
	[tilespmem:$0x1FED0] =	vst v3  }
0x39: {  	v8 =	vimm.s32 $0x6;
	v29 =	vperm.xlane v12, v10;
	v32 =	vperm.xlane v12, v11;
	[tilespmem:$0x1FFD0] =	vst v0  }
0x3a: {  	s11 =	simm.s32 $0x2;
	v35 =	vimm.s32 $0xD;
	v14 =	vperm.xlane v12, v7;
	v11 =	vperm.xlane v12, v8;
	v2 =	vld.idx.msk [tilespmem:v2+s10+$0x0], $0xffff  }
0x3b: {  	v20 =	vperm.xlane v12, v15;
	v61 =	vperm.xlane v12, v16;
	v3 =	vmov s11  }
0x3c: {  	v7 =	vimm.s32 $0x5;
	v21 =	vperm.xlane v12, v17;
	v22 =	vperm.xlane v12, v18  }
0x3d: {  	v6 =	vimm.s32 $0x3;
	v13 =	vperm.xlane v12, v7;
	v7 =	vimm.s32 $0x7  }
0x3e: {  	v34 =	vperm.xlane v12, v6;
	v10 =	vperm.xlane v12, v7;
	v7 =	vimm.s32 $0xB  }
0x3f: {  	v19 =	vimm.s32 $0x2;
	v0 =	vperm.xlane v12, v9;
	v15 =	vperm.xlane v2, v9  }
0x40: {  	v8 =	vld.idx.msk [tilespmem:v3+s4+$0x0], $0xffff;
	v3 =	vshll.u32 v3, $0x7;
	v16 =	vperm.xlane v2, v24;
	v17 =	vperm.xlane v2, v19  }
0x41: {  	v9 =	vimm.s32 $0x9;
	v18 =	vperm.xlane v2, v6;
	v30 =	vperm.xlane v2, v30  }
0x42: {  	v24 =	vimm.s32 $0xA;
	v31 =	vperm.xlane v2, v26;
	v33 =	vperm.xlane v2, v25  }
0x43: {  	v6 =	vimm.s32 $0xC;
	v37 =	vperm.xlane v2, v37;
	v39 =	vperm.xlane v2, v7  }
0x44: {  	v19 =	vimm.s32 $0x4;
	v42 =	vperm.xlane v2, v28;
	v43 =	vperm.xlane v2, v27  }
0x45: {  	v47 =	vperm.xlane v2, v23;
	v28 =	vimm.s32 $0x0;
	v19 =	vperm.xlane v2, v19  }
0x46: {  	v27 =	vimm.s32 $0xF;
	v38 =	vperm.xlane v2, v24;
	v40 =	vperm.xlane v2, v6  }
0x47: {  	v41 =	vshll.u32 v15, v1;
	v15 =	vshll.u32 v15, v4;
	v8 =	vshll.u32 v8, $0x4  }
0x48: {  	vm0 =	vlt.s32 v41, $0x0;
	vm1 =	vlt.s32 v15, $0x0;
	v8 =	vand.u32 $0x70, v8  }
0x49: {  	v15 =	vsel vm0, $0x3F800000, v5;
	v51 =	vsel vm1, $0x3F800000, v5;
	v3 =	vor.u32 v3, v8  }
0x4a: {  	v8 =	vperm.xlane v2, v9;
	v2 =	vshll.u32 v16, v1;
	v3 =	vor.u32 v1, v3  }
0x4b: {  	vm0 =	vlt.s32 v2, $0x0;
	v2 =	vshll.u32 v16, v4;
	v16 =	vshll.u32 v30, v1  }
0x4c: {  	vm1 =	vlt.s32 v2, $0x0;
	v52 =	vsel vm0, $0x3F800000, v5;
	v2 =	vshll.u32 v17, v1  }
0x4d: {  	v55 =	vsel vm1, $0x3F800000, v5;
	vm0 =	vlt.s32 v2, $0x0;
	v2 =	vshll.u32 v17, v4  }
0x4e: {  	s28 =	simm.s32 $0x180;
	s29 =	sand.u32 $0x3000, s4;
	vm1 =	vlt.s32 v2, $0x0;
	v58 =	vsel vm0, $0x3F800000, v5;
	v2 =	vshll.u32 v18, v1  }
0x4f: {  	s0 =	sadd.s32 $0x1100, s29;
	s1 =	sand.u32 $0x380, s28;
	v59 =	vsel vm1, $0x3F800000, v5;
	vm0 =	vlt.s32 v2, $0x0;
	v2 =	vshll.u32 v18, v4  }
0x50: {  	s3 =	sadd.s32 s1, s0;
	v18 =	vshll.u32 v33, v1;
	vm1 =	vlt.s32 v2, $0x0;
	v2 =	vshll.u32 v19, v1  }
0x51: {  	[tilespmem:s3+$0x0] =	vst v15;
	v60 =	vsel vm0, $0x3F800000, v5;
	vm0 =	vlt.s32 v2, $0x0;
	v2 =	vshll.u32 v19, v4  }
0x52: {  	v6 =	vsel vm1, $0x3F800000, v5;
	[tilespmem:s3+$0x60] =	vst v60;
	v60 =	vshll.u32 v13, v1;
	vm1 =	vlt.s32 v2, $0x0  }
0x53: {  	[tilespmem:s3+$0x10] =	vst v51;
	v3 =	vld.idx.msk [tilespmem:v3+s10+$0x0], $0xffff;
	v7 =	vsel vm0, $0x3F800000, v5;
	vm0 =	vlt.s32 v16, $0x0;
	v16 =	vshll.u32 v30, v4  }
0x54: {  	v2 =	vperm.xlane v12, v35;
	v35 =	vimm.s32 $0xD;
	[tilespmem:s3+$0x70] =	vst v6;
	v6 =	vimm.s32 $0x2  }
0x55: {  	[tilespmem:s3+$0x20] =	vst v52;
	v17 =	vsel vm1, $0x3F800000, v5;
	vm1 =	vlt.s32 v16, $0x0;
	v16 =	vshll.u32 v31, v1  }
0x56: {  	[tilespmem:s3+$0x30] =	vst v55;
	v9 =	vsel vm0, $0x3F800000, v5;
	vm0 =	vlt.s32 v16, $0x0;
	v16 =	vshll.u32 v31, v4  }
0x57: {  	[tilespmem:s3+$0x40] =	vst v58;
	v19 =	vsel vm1, $0x3F800000, v5;
	vm1 =	vlt.s32 v16, $0x0;
	v16 =	vsel vm0, $0x3F800000, v5  }
0x58: {  	[tilespmem:s3+$0x50] =	vst v59;
	vm0 =	vlt.s32 v18, $0x0;
	v18 =	vshll.u32 v33, v4;
	v58 =	vperm.xlane v3, v6  }
0x59: {  	[tilespmem:s3+$0x400] =	vst v7;
	v50 =	vsel vm1, $0x3F800000, v5;
	vm1 =	vlt.s32 v18, $0x0;
	v18 =	vshll.u32 v37, v1  }
0x5a: {  	[tilespmem:s3+$0x410] =	vst v17;
	v57 =	vsel vm0, $0x3F800000, v5;
	vm0 =	vlt.s32 v18, $0x0;
	v18 =	vshll.u32 v37, v4  }
0x5b: {  	[tilespmem:s3+$0x420] =	vst v9;
	v6 =	vshll.u32 v13, v4;
	v44 =	vsel vm1, $0x3F800000, v5;
	vm1 =	vlt.s32 v18, $0x0  }
0x5c: {  	s30 =	sand.u32 $0x7, s4;
	[tilespmem:s3+$0x430] =	vst v19;
	v54 =	vsel vm0, $0x3F800000, v5;
	v18 =	vshll.u32 v8, v1;
	v8 =	vshll.u32 v8, v4  }
0x5d: {  	s1 =	sshll.u32 s30, $0x7;
	[tilespmem:s3+$0x440] =	vst v16;
	v45 =	vsel vm1, $0x3F800000, v5;
	vm0 =	vlt.s32 v18, $0x0;
	vm1 =	vlt.s32 v8, $0x0  }
0x5e: {  	s1 =	sadd.s32 $0x0, s1;
	[tilespmem:s3+$0x450] =	vst v50;
	v8 =	vshll.u32 v38, v1;
	v18 =	vshll.u32 v0, v1;
	v0 =	vshll.u32 v0, v4  }
0x5f: {  	s31 =	sadd.s32 $0x180, s1;
	[tilespmem:s3+$0x460] =	vst v57;
	v63 =	vsel vm0, $0x3F800000, v5;
	vm0 =	vlt.s32 v8, $0x0;
	v8 =	vshll.u32 v38, v4  }
0x60: {  	s5 =	sor.u32 $0x800, s31;
	[tilespmem:s3+$0x470] =	vst v44;
	v48 =	vsel vm1, $0x3F800000, v5;
	vm1 =	vlt.s32 v8, $0x0;
	v8 =	vshll.u32 v39, v1  }
0x61: {  	s6 =	sor.u32 $0x810, s31;
	[tilespmem:s5+$0x1100] =	vst v54;
	v62 =	vsel vm0, $0x3F800000, v5;
	vm0 =	vlt.s32 v8, $0x0;
	v8 =	vshll.u32 v39, v4  }
0x62: {  	s7 =	sor.u32 $0x820, s31;
	[tilespmem:s6+$0x1100] =	vst v45;
	v56 =	vsel vm1, $0x3F800000, v5;
	vm1 =	vlt.s32 v8, $0x0;
	v8 =	vshll.u32 v40, v1  }
0x63: {  	s8 =	sor.u32 $0x830, s31;
	[tilespmem:s7+$0x1100] =	vst v63;
	v53 =	vsel vm0, $0x3F800000, v5;
	vm0 =	vlt.s32 v8, $0x0;
	v8 =	vshll.u32 v40, v4  }
0x64: {  	s9 =	sor.u32 $0x840, s31;
	[tilespmem:s8+$0x1100] =	vst v48;
	v49 =	vsel vm1, $0x3F800000, v5;
	vm1 =	vlt.s32 v8, $0x0;
	v8 =	vshll.u32 v42, v1  }
0x65: {  	s12 =	sor.u32 $0x850, s31;
	[tilespmem:s9+$0x1100] =	vst v62;
	v46 =	vsel vm0, $0x3F800000, v5;
	vm0 =	vlt.s32 v8, $0x0;
	v8 =	vshll.u32 v42, v4  }
0x66: {  	s13 =	sor.u32 $0x860, s31;
	[tilespmem:s12+$0x1100] =	vst v56;
	v41 =	vsel vm1, $0x3F800000, v5;
	vm1 =	vlt.s32 v8, $0x0;
	v8 =	vshll.u32 v43, v1  }
0x67: {  	s14 =	sor.u32 $0x870, s31;
	[tilespmem:s13+$0x1100] =	vst v53;
	v39 =	vsel vm0, $0x3F800000, v5;
	vm0 =	vlt.s32 v8, $0x0;
	v8 =	vshll.u32 v43, v4  }
0x68: {  	s15 =	sor.u32 $0xC00, s31;
	[tilespmem:s14+$0x1100] =	vst v49;
	v37 =	vsel vm1, $0x3F800000, v5;
	vm1 =	vlt.s32 v8, $0x0;
	v8 =	vshll.u32 v47, v1  }
0x69: {  	s16 =	sor.u32 $0xC10, s31;
	[tilespmem:s15+$0x1100] =	vst v46;
	v23 =	vsel vm0, $0x3F800000, v5;
	vm0 =	vlt.s32 v8, $0x0;
	v8 =	vshll.u32 v47, v4  }
0x6a: {  	[tilespmem:s16+$0x1100] =	vst v41;
	v41 =	vperm.xlane v3, v35;
	v31 =	vsel vm1, $0x3F800000, v5;
	vm1 =	vlt.s32 v8, $0x0  }
0x6b: {  	v30 =	vsel vm0, $0x3F800000, v5;
	vm0 =	vlt.s32 v18, $0x0;
	v8 =	vshll.u32 v32, v4  }
0x6c: {  	v24 =	vsel vm1, $0x3F800000, v5;
	vm1 =	vlt.s32 v0, $0x0;
	v0 =	vshll.u32 v29, v1  }
0x6d: {  	v26 =	vsel vm0, $0x3F800000, v5;
	vm0 =	vlt.s32 v0, $0x0;
	v0 =	vshll.u32 v29, v4  }
0x6e: {  	v25 =	vsel vm1, $0x3F800000, v5;
	vm1 =	vlt.s32 v0, $0x0;
	v0 =	vshll.u32 v32, v1  }
0x6f: {  	v29 =	vsel vm0, $0x3F800000, v5;
	vm0 =	vlt.s32 v0, $0x0;
	v0 =	vperm.xlane v12, v36  }
0x70: {  	v32 =	vsel vm1, $0x3F800000, v5;
	vm1 =	vlt.s32 v8, $0x0;
	v8 =	vshll.u32 v34, v1  }
0x71: {  	v36 =	vimm.s32 $0xE;
	v33 =	vsel vm0, $0x3F800000, v5;
	vm0 =	vlt.s32 v8, $0x0  }
0x72: {  	v8 =	vimm.s32 $0xE;
	v15 =	vsel vm1, $0x3F800000, v5;
	v7 =	vperm.xlane v3, v36  }
0x73: {  	v18 =	vperm.xlane v12, v8;
	v12 =	vperm.xlane v12, v27;
	v8 =	vshll.u32 v34, v4  }
0x74: {  	v34 =	vsel vm0, $0x3F800000, v5;
	vm1 =	vlt.s32 v8, $0x0;
	v8 =	vshll.u32 v14, v1  }
0x75: {  	v14 =	vshll.u32 v14, v4;
	vm0 =	vlt.s32 v8, $0x0;
	v38 =	vsel vm1, $0x3F800000, v5  }
0x76: {  	vm1 =	vlt.s32 v14, $0x0;
	v14 =	vsel vm0, $0x3F800000, v5;
	vm0 =	vlt.s32 v60, $0x0  }
0x77: {  	v13 =	vsel vm1, $0x3F800000, v5;
	vm1 =	vlt.s32 v6, $0x0;
	v6 =	vshll.u32 v11, v1  }
0x78: {  	s17 =	sor.u32 $0xC20, s31;
	v40 =	vsel vm0, $0x3F800000, v5;
	vm0 =	vlt.s32 v6, $0x0;
	v6 =	vimm.s32 $0x3  }
0x79: {  	s18 =	sor.u32 $0xC30, s31;
	[tilespmem:s17+$0x1100] =	vst v39;
	v8 =	vperm.xlane v3, v28;
	v60 =	vperm.xlane v3, v6;
	v6 =	vimm.s32 $0x4  }
0x7a: {  	s19 =	sor.u32 $0xC40, s31;
	[tilespmem:s18+$0x1100] =	vst v37;
	v28 =	vimm.s32 $0x1;
	v47 =	vperm.xlane v3, v6;
	v6 =	vshll.u32 v11, v4  }
0x7b: {  	s20 =	sor.u32 $0xC50, s31;
	s5 =	simm.s32 $0x80;
	[tilespmem:s19+$0x1100] =	vst v23;
	v42 =	vsel vm1, $0x3F800000, v5;
	vm1 =	vlt.s32 v6, $0x0;
	v6 =	vshll.u32 v10, v1  }
0x7c: {  	s21 =	sor.u32 $0xC60, s31;
	s5 =	sand.u32 $0x280, s5;
	[tilespmem:s20+$0x1100] =	vst v31;
	v43 =	vsel vm0, $0x3F800000, v5;
	vm0 =	vlt.s32 v6, $0x0;
	v6 =	vimm.s32 $0x5  }
0x7d: {  	s23 =	sor.u32 s5, s0;
	[tilespmem:s21+$0x1100] =	vst v30;
	v16 =	vshll.u32 v12, v1;
	v51 =	vperm.xlane v3, v6;
	v6 =	vshll.u32 v10, v4  }
0x7e: {  	[tilespmem:s23+$0x0] =	vst v26;
	v52 =	vsel vm1, $0x3F800000, v5;
	vm1 =	vlt.s32 v6, $0x0;
	v6 =	vshll.u32 v20, v1  }
0x7f: {  	[tilespmem:s23+$0x10] =	vst v25;
	v50 =	vsel vm0, $0x3F800000, v5;
	vm0 =	vlt.s32 v6, $0x0;
	v6 =	vimm.s32 $0x6  }
0x80: {  	[tilespmem:s23+$0x20] =	vst v29;
	v12 =	vshll.u32 v12, v4;
	v59 =	vperm.xlane v3, v6;
	v6 =	vimm.s32 $0x7  }
0x81: {  	[tilespmem:s23+$0x30] =	vst v32;
	v55 =	vperm.xlane v3, v28;
	v44 =	vperm.xlane v3, v6;
	v6 =	vshll.u32 v20, v4  }
0x82: {  	[tilespmem:s23+$0x40] =	vst v33;
	v57 =	vsel vm1, $0x3F800000, v5;
	vm1 =	vlt.s32 v6, $0x0;
	v6 =	vshll.u32 v61, v1  }
0x83: {  	[tilespmem:s23+$0x50] =	vst v15;
	v54 =	vsel vm0, $0x3F800000, v5;
	vm0 =	vlt.s32 v6, $0x0;
	v6 =	vimm.s32 $0x8  }
0x84: {  	[tilespmem:s23+$0x400] =	vst v14;
	v14 =	vshll.u32 v47, v4;
	v45 =	vperm.xlane v3, v6;
	v6 =	vshll.u32 v61, v4  }
0x85: {  	[tilespmem:s23+$0x60] =	vst v34;
	v63 =	vsel vm1, $0x3F800000, v5;
	vm1 =	vlt.s32 v6, $0x0;
	v6 =	vshll.u32 v21, v1  }
0x86: {  	[tilespmem:s23+$0x70] =	vst v38;
	v61 =	vsel vm0, $0x3F800000, v5;
	vm0 =	vlt.s32 v6, $0x0;
	v6 =	vimm.s32 $0x9  }
0x87: {  	[tilespmem:s23+$0x410] =	vst v13;
	v15 =	vshll.u32 v51, v4;
	v48 =	vperm.xlane v3, v6;
	v6 =	vimm.s32 $0xA  }
0x88: {  	[tilespmem:s23+$0x420] =	vst v40;
	v62 =	vsel vm1, $0x3F800000, v5;
	v9 =	vperm.xlane v3, v6;
	v6 =	vshll.u32 v21, v4  }
0x89: {  	[tilespmem:s23+$0x430] =	vst v42;
	v56 =	vsel vm0, $0x3F800000, v5;
	vm1 =	vlt.s32 v6, $0x0;
	v6 =	vshll.u32 v22, v1  }
0x8a: {  	[tilespmem:s23+$0x440] =	vst v43;
	vm0 =	vlt.s32 v6, $0x0;
	v6 =	vimm.s32 $0xB;
	v49 =	vsel vm1, $0x3F800000, v5  }
0x8b: {  	[tilespmem:s23+$0x450] =	vst v52;
	v10 =	vperm.xlane v3, v6;
	v6 =	vshll.u32 v22, v4;
	v46 =	vsel vm0, $0x3F800000, v5  }
0x8c: {  	s1 =	sadd.s32 $0x80, s1;
	[tilespmem:s23+$0x460] =	vst v50;
	vm1 =	vlt.s32 v6, $0x0;
	v6 =	vshll.u32 v0, v1;
	v0 =	vshll.u32 v0, v4  }
0x8d: {  	s24 =	sor.u32 $0x800, s1;
	[tilespmem:s23+$0x470] =	vst v57;
	vm0 =	vlt.s32 v6, $0x0;
	v6 =	vimm.s32 $0xC;
	v53 =	vsel vm1, $0x3F800000, v5  }
0x8e: {  	s25 =	sor.u32 $0x810, s1;
	[tilespmem:s24+$0x1100] =	vst v54;
	vm1 =	vlt.s32 v0, $0x0;
	v0 =	vshll.u32 v2, v1;
	v2 =	vshll.u32 v2, v4  }
0x8f: {  	s26 =	sor.u32 $0x820, s1;
	[tilespmem:s25+$0x1100] =	vst v63;
	v11 =	vperm.xlane v3, v6;
	v6 =	vperm.xlane v3, v27;
	v35 =	vsel vm0, $0x3F800000, v5  }
0x90: {  	s28 =	sor.u32 $0x830, s1;
	[tilespmem:s26+$0x1100] =	vst v61;
	vm0 =	vlt.s32 v0, $0x0;
	v20 =	vsel vm1, $0x3F800000, v5;
	vm1 =	vlt.s32 v2, $0x0  }
0x91: {  	s29 =	sor.u32 $0x840, s1;
	[tilespmem:s28+$0x1100] =	vst v62;
	v0 =	vshll.u32 v18, v1;
	v3 =	vshll.u32 v18, v4;
	v31 =	vsel vm0, $0x3F800000, v5  }
0x92: {  	s30 =	sor.u32 $0x850, s1;
	[tilespmem:s29+$0x1100] =	vst v56;
	v2 =	vsel vm1, $0x3F800000, v5;
	vm0 =	vlt.s32 v0, $0x0;
	vm1 =	vlt.s32 v3, $0x0  }
0x93: {  	s22 =	sor.u32 $0xC70, s31;
	s31 =	sor.u32 $0x860, s1;
	v21 =	vshll.u32 v45, v4;
	[tilespmem:s30+$0x1100] =	vst v49;
	v3 =	vsel vm0, $0x3F800000, v5;
	v0 =	vsel vm1, $0x3F800000, v5  }
0x94: {  	s5 =	sor.u32 $0x870, s1;
	[tilespmem:s31+$0x1100] =	vst v46;
	vm0 =	vlt.s32 v16, $0x0;
	vm1 =	vlt.s32 v12, $0x0;
	v12 =	vshll.u32 v8, v1  }
0x95: {  	s6 =	sor.u32 $0xC00, s1;
	[tilespmem:s5+$0x1100] =	vst v53;
	v8 =	vshll.u32 v8, v4;
	v30 =	vsel vm0, $0x3F800000, v5;
	v16 =	vsel vm1, $0x3F800000, v5  }
0x96: {  	s7 =	sor.u32 $0xC10, s1;
	[tilespmem:s6+$0x1100] =	vst v35;
	vm0 =	vlt.s32 v12, $0x0;
	vm1 =	vlt.s32 v8, $0x0;
	v8 =	vshll.u32 v55, v1  }
0x97: {  	s8 =	sor.u32 $0xC20, s1;
	[tilespmem:s7+$0x1100] =	vst v20;
	v12 =	vshll.u32 v55, v4;
	v17 =	vsel vm0, $0x3F800000, v5;
	v18 =	vsel vm1, $0x3F800000, v5  }
0x98: {  	s9 =	sor.u32 $0xC30, s1;
	[tilespmem:s8+$0x1100] =	vst v31;
	vm0 =	vlt.s32 v8, $0x0;
	vm1 =	vlt.s32 v12, $0x0;
	v8 =	vshll.u32 v58, v1  }
0x99: {  	v12 =	vshll.u32 v58, v4;
	[tilespmem:s9+$0x1100] =	vst v2;
	v2 =	vshll.u32 v41, v1;
	v55 =	vsel vm0, $0x3F800000, v5  }
0x9a: {  	v58 =	vsel vm1, $0x3F800000, v5;
	vm0 =	vlt.s32 v8, $0x0;
	vm1 =	vlt.s32 v12, $0x0  }
0x9b: {  	s12 =	sor.u32 $0xC40, s1;
	v8 =	vshll.u32 v60, v1;
	v12 =	vshll.u32 v60, v4;
	v29 =	vsel vm0, $0x3F800000, v5  }
0x9c: {  	s13 =	sor.u32 $0xC50, s1;
	[tilespmem:s12+$0x1100] =	vst v3;
	v60 =	vsel vm1, $0x3F800000, v5;
	vm0 =	vlt.s32 v8, $0x0;
	vm1 =	vlt.s32 v12, $0x0  }
0x9d: {  	v12 =	vshll.u32 v47, v1;
	[tilespmem:s13+$0x1100] =	vst v0;
	v0 =	vshll.u32 v7, v1;
	v13 =	vsel vm0, $0x3F800000, v5  }
0x9e: {  	v8 =	vsel vm1, $0x3F800000, v5;
	vm0 =	vlt.s32 v12, $0x0;
	vm1 =	vlt.s32 v14, $0x0  }
0x9f: {  	v12 =	vshll.u32 v51, v1;
	v14 =	vsel vm0, $0x3F800000, v5;
	v39 =	vsel vm1, $0x3F800000, v5  }
0xa0: {  	vm0 =	vlt.s32 v12, $0x0;
	vm1 =	vlt.s32 v15, $0x0;
	v12 =	vshll.u32 v59, v1  }
0xa1: {  	v15 =	vshll.u32 v59, v4;
	v47 =	vsel vm0, $0x3F800000, v5;
	v50 =	vsel vm1, $0x3F800000, v5  }
0xa2: {  	vm0 =	vlt.s32 v12, $0x0;
	vm1 =	vlt.s32 v15, $0x0;
	v12 =	vshll.u32 v44, v1  }
0xa3: {  	v15 =	vshll.u32 v44, v4;
	v51 =	vsel vm0, $0x3F800000, v5;
	v52 =	vsel vm1, $0x3F800000, v5  }
0xa4: {  	vm0 =	vlt.s32 v12, $0x0;
	vm1 =	vlt.s32 v15, $0x0;
	v12 =	vshll.u32 v45, v1  }
0xa5: {  	v19 =	vsel vm0, $0x3F800000, v5;
	v15 =	vsel vm1, $0x3F800000, v5;
	vm0 =	vlt.s32 v12, $0x0  }
0xa6: {  	vm1 =	vlt.s32 v21, $0x0;
	v12 =	vshll.u32 v48, v1;
	v21 =	vshll.u32 v48, v4  }
0xa7: {  	s14 =	simm.s32 $0x100;
	v54 =	vsel vm0, $0x3F800000, v5;
	v48 =	vsel vm1, $0x3F800000, v5;
	vm0 =	vlt.s32 v12, $0x0  }
0xa8: {  	s16 =	sand.u32 $0x300, s14;
	vm1 =	vlt.s32 v21, $0x0;
	v12 =	vshll.u32 v9, v1;
	v9 =	vshll.u32 v9, v4  }
0xa9: {  	s2 =	sadd.s32 s16, s0;
	[tilespmem:s22+$0x1100] =	vst v24;
	v42 =	vsel vm0, $0x3F800000, v5;
	v43 =	vsel vm1, $0x3F800000, v5;
	vm0 =	vlt.s32 v12, $0x0  }
0xaa: {  	s15 =	sor.u32 $0xC60, s1;
	[tilespmem:s2+$0x0] =	vst v17;
	vm1 =	vlt.s32 v9, $0x0;
	v9 =	vshll.u32 v10, v1;
	v10 =	vshll.u32 v10, v4  }
0xab: {  	s1 =	sor.u32 $0xC70, s1;
	[tilespmem:s15+$0x1100] =	vst v30;
	v44 =	vsel vm0, $0x3F800000, v5;
	v45 =	vsel vm1, $0x3F800000, v5;
	vm0 =	vlt.s32 v9, $0x0  }
0xac: {  	[tilespmem:s1+$0x1100] =	vst v16;
	vm1 =	vlt.s32 v10, $0x0;
	v9 =	vshll.u32 v11, v1;
	v10 =	vshll.u32 v11, v4  }
0xad: {  	v3 =	vld [tilespmem:$0x1FE10];
	v32 =	vsel vm0, $0x3F800000, v5;
	v36 =	vsel vm1, $0x3F800000, v5;
	vm0 =	vlt.s32 v9, $0x0  }
0xae: {  	vm1 =	vlt.s32 v10, $0x0;
	v9 =	vshll.u32 v41, v4;
	v37 =	vsel vm0, $0x3F800000, v5  }
0xaf: {  	v31 =	vsel vm1, $0x3F800000, v5;
	vm0 =	vlt.s32 v2, $0x0;
	vm1 =	vlt.s32 v9, $0x0  }
0xb0: {  	[tilespmem:s2+$0x10] =	vst v18;
	v2 =	vshll.u32 v7, v4;
	v34 =	vsel vm0, $0x3F800000, v5;
	v56 =	vsel vm1, $0x3F800000, v5  }
0xb1: {  	[tilespmem:s2+$0x20] =	vst v55;
	vm0 =	vlt.s32 v0, $0x0;
	vm1 =	vlt.s32 v2, $0x0;
	v0 =	vshll.u32 v6, v1  }
0xb2: {  	[tilespmem:s2+$0x30] =	vst v58;
	v2 =	vshll.u32 v3, v1;
	v57 =	vsel vm0, $0x3F800000, v5;
	vm0 =	vlt.s32 v0, $0x0  }
0xb3: {  	v30 =	vsel vm0, $0x3F800000, v5;
	vm0 =	vlt.s32 v2, $0x0;
	v2 =	vld [tilespmem:$0x1FE20];
	_ =	sdelay $0x1  }
0xb4: {  	v0 =	vshll.u32 v6, v4  }
0xb5: {  	v59 =	vsel vm1, $0x3F800000, v5;
	vm1 =	vlt.s32 v0, $0x0  }
0xb6: {  	v0 =	vshll.u32 v3, v4;
	[tilespmem:s2+$0x40] =	vst v29;
	v28 =	vsel vm1, $0x3F800000, v5  }
0xb7: {  	[tilespmem:s2+$0x50] =	vst v60;
	vm1 =	vlt.s32 v0, $0x0;
	v0 =	vshll.u32 v2, v1;
	v2 =	vshll.u32 v2, v4  }
0xb8: {  	v17 =	vsel vm1, $0x3F800000, v5;
	vm1 =	vlt.s32 v2, $0x0;
	v2 =	vld [tilespmem:$0x1FE30];
	_ =	sdelay $0x3  }
0xb9: {  	v16 =	vsel vm0, $0x3F800000, v5;
	[tilespmem:s2+$0x60] =	vst v13  }
0xba: {  	vm0 =	vlt.s32 v0, $0x0;
	[tilespmem:s2+$0x70] =	vst v8;
	v0 =	vshll.u32 v2, v1;
	v2 =	vshll.u32 v2, v4  }
0xbb: {  	v13 =	vsel vm1, $0x3F800000, v5;
	vm1 =	vlt.s32 v2, $0x0;
	v2 =	vld [tilespmem:$0x1FE40];
	_ =	sdelay $0x4  }
0xbc: {  	v18 =	vsel vm0, $0x3F800000, v5;
	vm0 =	vlt.s32 v0, $0x0;
	[tilespmem:s2+$0x400] =	vst v14;
	v0 =	vshll.u32 v2, v1  }
0xbd: {  	[tilespmem:s2+$0x410] =	vst v39;
	v25 =	vsel vm0, $0x3F800000, v5;
	vm0 =	vlt.s32 v0, $0x0;
	v0 =	vshll.u32 v2, v4  }
0xbe: {  	v24 =	vsel vm1, $0x3F800000, v5;
	vm1 =	vlt.s32 v0, $0x0;
	v0 =	vld [tilespmem:$0x1FE50];
	_ =	sdelay $0x3  }
0xbf: {  	[tilespmem:s2+$0x420] =	vst v47  }
0xc0: {  	[tilespmem:s2+$0x430] =	vst v50;
	v3 =	vshll.u32 v0, v1  }
0xc1: {  	v10 =	vsel vm0, $0x3F800000, v5;
	vm0 =	vlt.s32 v3, $0x0;
	v3 =	vshll.u32 v0, v4;
	v0 =	vld [tilespmem:$0x1FE60];
	_ =	sdelay $0x3  }
0xc2: {  	[tilespmem:s2+$0x440] =	vst v51  }
0xc3: {  	v8 =	vsel vm1, $0x3F800000, v5;
	[tilespmem:s2+$0x450] =	vst v52;
	vm1 =	vlt.s32 v3, $0x0;
	v3 =	vshll.u32 v0, v1  }
0xc4: {  	v61 =	vsel vm0, $0x3F800000, v5;
	vm0 =	vlt.s32 v3, $0x0;
	v3 =	vshll.u32 v0, v4;
	v0 =	vld [tilespmem:$0x1FE70]  }
0xc5: {  	s17 =	simm.s32 $0x4  }
0xc6: {  	v2 =	vmov s17;
	_ =	sdelay $0x2  }
0xc7: {  	v11 =	vsel vm1, $0x3F800000, v5;
	vm1 =	vlt.s32 v3, $0x0;
	v3 =	vshll.u32 v0, v1  }
0xc8: {  	[tilespmem:s2+$0x460] =	vst v19;
	v14 =	vsel vm0, $0x3F800000, v5;
	vm0 =	vlt.s32 v3, $0x0  }
0xc9: {  	v6 =	vld.idx.msk [tilespmem:v2+s4+$0x0], $0xffff;
	[tilespmem:s2+$0x470] =	vst v15;
	v3 =	vshll.u32 v0, v4;
	v0 =	vsel vm0, $0x3F800000, v5  }
0xca: {  	s18 =	sand.u32 $0x3, s4;
	[tilespmem:$0x1FF70] =	vst v0;
	v0 =	vld [tilespmem:$0x1FE80]  }
0xcb: {  	s1 =	sshll.u32 s18, $0x8  }
0xcc: {  	s1 =	sadd.s32 $0x0, s1  }
0xcd: {  	s1 =	sadd.s32 $0x100, s1  }
0xce: {  	s19 =	sor.u32 $0x800, s1  }
0xcf: {  	s21 =	sor.u32 $0x810, s1;
	v12 =	vsel vm1, $0x3F800000, v5;
	vm1 =	vlt.s32 v3, $0x0;
	[tilespmem:s19+$0x1100] =	vst v54;
	v3 =	vshll.u32 v0, v1  }
0xd0: {  	s22 =	sor.u32 $0x820, s1;
	[tilespmem:s21+$0x1100] =	vst v48;
	vm0 =	vlt.s32 v3, $0x0;
	v3 =	vshll.u32 v0, v4  }
0xd1: {  	v49 =	vsel vm1, $0x3F800000, v5;
	[tilespmem:s22+$0x1100] =	vst v42;
	vm1 =	vlt.s32 v3, $0x0  }
0xd2: {  	v0 =	vld [tilespmem:$0x1FE90];
	v7 =	vsel vm1, $0x3F800000, v5  }
0xd3: {  	s23 =	sor.u32 $0x830, s1;
	[tilespmem:$0x1FF80] =	vst v7  }
0xd4: {  	s24 =	sor.u32 $0x840, s1;
	[tilespmem:s23+$0x1100] =	vst v43  }
0xd5: {  	s25 =	sor.u32 $0x850, s1;
	[tilespmem:s24+$0x1100] =	vst v44  }
0xd6: {  	[tilespmem:s25+$0x1100] =	vst v45  }
0xd7: {  	v3 =	vshll.u32 v0, v1;
	v7 =	vshll.u32 v0, v4;
	v0 =	vld [tilespmem:$0x1FEA0];
	_ =	sdelay $0x2  }
0xd8: {  	s26 =	sor.u32 $0x860, s1  }
0xd9: {  	s28 =	sor.u32 $0x870, s1;
	[tilespmem:s26+$0x1100] =	vst v32  }
0xda: {  	v50 =	vsel vm0, $0x3F800000, v5;
	vm0 =	vlt.s32 v3, $0x0;
	[tilespmem:s28+$0x1100] =	vst v36;
	v3 =	vshll.u32 v0, v1  }
0xdb: {  	v48 =	vsel vm0, $0x3F800000, v5;
	vm0 =	vlt.s32 v3, $0x0;
	v3 =	vshll.u32 v0, v4;
	v0 =	vld [tilespmem:$0x1FEB0];
	_ =	sdelay $0x1  }
0xdc: {  	s20 =	simm.s32 $0x5  }
0xdd: {  	v20 =	vmov s20  }
0xde: {  	vm1 =	vlt.s32 v7, $0x0  }
0xdf: {  	s29 =	sor.u32 $0xC00, s1;
	v60 =	vsel vm1, $0x3F800000, v5;
	vm1 =	vlt.s32 v3, $0x0;
	v3 =	vshll.u32 v0, v1  }
0xe0: {  	s31 =	sor.u32 $0xC10, s1;
	[tilespmem:s29+$0x1100] =	vst v37;
	v42 =	vsel vm0, $0x3F800000, v5;
	vm0 =	vlt.s32 v3, $0x0  }
0xe1: {  	[tilespmem:s31+$0x1100] =	vst v31;
	v3 =	vshll.u32 v0, v4;
	v0 =	vsel vm0, $0x3F800000, v5  }
0xe2: {  	s3 =	sor.u32 $0xC20, s1;
	v21 =	vld.idx.msk [tilespmem:v20+s4+$0x0], $0xffff;
	[tilespmem:$0x1FFA0] =	vst v0  }
0xe3: {  	v6 =	vshll.u32 v6, $0x4;
	[tilespmem:s3+$0x1100] =	vst v34  }
0xe4: {  	v2 =	vshll.u32 v2, $0x7;
	v6 =	vand.u32 $0x70, v6;
	v0 =	vld [tilespmem:$0x1FEC0]  }
0xe5: {  	v2 =	vor.u32 v2, v6  }
0xe6: {  	v2 =	vor.u32 v1, v2;
	v39 =	vsel vm1, $0x3F800000, v5;
	vm1 =	vlt.s32 v3, $0x0  }
0xe7: {  	v6 =	vsel vm1, $0x3F800000, v5  }
0xe8: {  	s6 =	sor.u32 $0xC30, s1;
	[tilespmem:$0x1FFB0] =	vst v6  }
0xe9: {  	s7 =	sor.u32 $0xC40, s1;
	[tilespmem:s6+$0x1100] =	vst v56;
	v3 =	vshll.u32 v0, v1  }
0xea: {  	s8 =	sor.u32 $0xC50, s1;
	[tilespmem:s7+$0x1100] =	vst v57;
	vm0 =	vlt.s32 v3, $0x0  }
0xeb: {  	v2 =	vld.idx.msk [tilespmem:v2+s10+$0x0], $0xffff;
	[tilespmem:s8+$0x1100] =	vst v59;
	v23 =	vshll.u32 v0, v4;
	v0 =	vsel vm0, $0x3F800000, v5  }
0xec: {  	[tilespmem:$0x1FFC0] =	vst v0;
	v0 =	vld [tilespmem:$0x1FED0]  }
0xed: {  	s30 =	simm.s32 $0x6  }
0xee: {  	v22 =	vmov s30  }
0xef: {  	v21 =	vshll.u32 v21, $0x4  }
0xf0: {  	v20 =	vshll.u32 v20, $0x7;
	v21 =	vand.u32 $0x70, v21;
	vm1 =	vlt.s32 v23, $0x0  }
0xf1: {  	s12 =	sor.u32 $0xC60, s1;
	v3 =	vor.u32 v20, v21;
	v6 =	vsel vm1, $0x3F800000, v5;
	v21 =	vshll.u32 v0, v1  }
0xf2: {  	[tilespmem:s12+$0x1100] =	vst v30;
	vm1 =	vlt.s32 v21, $0x0;
	v21 =	vshll.u32 v0, v4;
	v0 =	vimm.s32 $0x0  }
0xf3: {  	s9 =	simm.s32 $0x0;
	s1 =	sor.u32 $0xC70, s1;
	v23 =	vld.idx.msk [tilespmem:v22+s4+$0x0], $0xffff;
	[tilespmem:$0x1FFE0] =	vst v6;
	v6 =	vperm.xlane v2, v0  }
0xf4: {  	s2 =	sand.u32 $0x200, s9;
	[tilespmem:s1+$0x1100] =	vst v28  }
0xf5: {  	s0 =	sor.u32 s2, s0;
	v3 =	vor.u32 v1, v3;
	[tilespmem:$0x1FEE0] =	vst v6  }
0xf6: {  	v57 =	vimm.s32 $0x1;
	v6 =	vsel vm1, $0x3F800000, v5;
	[tilespmem:s0+$0x0] =	vst v16  }
0xf7: {  	[tilespmem:$0x1FFF0] =	vst v6;
	v6 =	vperm.xlane v2, v57;
	_ =	sdelay $0x1  }
0xf8: {  	[tilespmem:$0x1FEF0] =	vst v6  }
0xf9: {  	[tilespmem:s0+$0x20] =	vst v18;
	v18 =	vld.idx.msk [tilespmem:v3+s10+$0x0], $0xffff  }
0xfa: {  	s13 =	simm.s32 $0x7;
	[tilespmem:s0+$0x10] =	vst v17  }
0xfb: {  	vm0 =	vlt.s32 v21, $0x0;
	v21 =	vmov s13;
	[tilespmem:s0+$0x30] =	vst v13  }
0xfc: {  	[tilespmem:s0+$0x40] =	vst v25  }
0xfd: {  	v58 =	vimm.s32 $0x2;
	[tilespmem:s0+$0x50] =	vst v24  }
0xfe: {  	v55 =	vld [tilespmem:$0x1FF00];
	[tilespmem:s0+$0x60] =	vst v10;
	v10 =	vperm.xlane v18, v58  }
0xff: {  	v56 =	vimm.s32 $0x3;
	[tilespmem:s0+$0x70] =	vst v8  }
0x100: {  	v3 =	vshll.u32 v23, $0x4;
	v13 =	vld.idx.msk [tilespmem:v21+s4+$0x0], $0xffff;
	[tilespmem:$0x1FF10] =	vst v10;
	v10 =	vperm.xlane v18, v56  }
0x101: {  	v16 =	vimm.s32 $0x4;
	v17 =	vshll.u32 v22, $0x7;
	v3 =	vand.u32 $0x70, v3;
	[tilespmem:s0+$0x400] =	vst v61  }
0x102: {  	v3 =	vor.u32 v17, v3;
	[tilespmem:$0x1FF20] =	vst v10;
	v10 =	vperm.xlane v18, v16  }
0x103: {  	v54 =	vimm.s32 $0x5;
	v17 =	vor.u32 v1, v3  }
0x104: {  	[tilespmem:$0x1FF30] =	vst v10;
	v10 =	vperm.xlane v18, v54  }
0x105: {  	v20 =	vimm.s32 $0x6;
	[tilespmem:s0+$0x410] =	vst v11  }
0x106: {  	[tilespmem:$0x1FF40] =	vst v10;
	v10 =	vperm.xlane v18, v20  }
0x107: {  	v35 =	vimm.s32 $0x7  }
0x108: {  	v11 =	vld.idx.msk [tilespmem:v17+s10+$0x0], $0xffff;
	[tilespmem:$0x1FF50] =	vst v10;
	v10 =	vperm.xlane v18, v35  }
0x109: {  	[tilespmem:s0+$0x420] =	vst v14  }
0x10a: {  	[tilespmem:$0x1FF60] =	vst v10  }
0x10b: {  	[tilespmem:s0+$0x430] =	vst v12  }
0x10c: {  	v7 =	vld [tilespmem:$0x1FF70];
	_ =	sdelay $0x2  }
0x10d: {  	[tilespmem:s0+$0x450] =	vst v49  }
0x10e: {  	[tilespmem:s0+$0x460] =	vst v50  }
0x10f: {  	v40 =	vperm.xlane v2, v56;
	v3 =	vimm.s32 $0xC;
	[tilespmem:s0+$0x440] =	vst v7  }
0x110: {  	v26 =	vperm.xlane v2, v3;
	v56 =	vperm.xlane v18, v3;
	v3 =	vld [tilespmem:$0x1FF80]  }
0x111: {  	p0 =	por $0x0, $0x0;
	s1 =	simm.s32 $0x1  }
0x112: {  	s1 =	simm.s32 @!p0 $0x0  }
0x113: {  	s1 =	sshll.u32 s1, $0x9  }
0x114: {  	s1 =	sadd.s32 $0x0, s1  }
0x115: {  	s14 =	sor.u32 $0x800, s1;
	[tilespmem:s0+$0x470] =	vst v3  }
0x116: {  	[tilespmem:s14+$0x1100] =	vst v48  }
0x117: {  	v3 =	vld [tilespmem:$0x1FF90]  }
0x118: {  	s15 =	sor.u32 $0x810, s1  }
0x119: {  	v51 =	vimm.s32 $0xA;
	v41 =	vperm.xlane v2, v58;
	s16 =	sor.u32 $0x820, s1;
	v13 =	vshll.u32 v13, $0x4;
	[tilespmem:s15+$0x1100] =	vst v60  }
0x11a: {  	v28 =	vperm.xlane v2, v51;
	s17 =	sor.u32 $0x830, s1;
	v13 =	vand.u32 $0x70, v13;
	v14 =	vshll.u32 v21, $0x7;
	[tilespmem:s16+$0x1100] =	vst v42  }
0x11b: {  	v8 =	vimm.s32 $0x1;
	v58 =	vperm.xlane v18, v51;
	v12 =	vor.u32 v14, v13;
	[tilespmem:s17+$0x1100] =	vst v39  }
0x11c: {  	v51 =	vperm.xlane v11, v8;
	v14 =	vshll.u32 v3, v1;
	v8 =	vshll.u32 v3, v4;
	v3 =	vld [tilespmem:$0x1FFA0];
	_ =	sdelay $0x1  }
0x11d: {  	v38 =	vimm.s32 $0xC;
	v62 =	vimm.s32 $0x8  }
0x11e: {  	v46 =	vimm.s32 $0x9;
	v9 =	vimm.s32 $0x2;
	v47 =	vimm.s32 $0xF  }
0x11f: {  	v19 =	vimm.s32 $0xA;
	v43 =	vimm.s32 $0x6;
	v44 =	vimm.s32 $0xD;
	s18 =	sor.u32 $0x840, s1  }
0x120: {  	v45 =	vimm.s32 $0xB;
	v33 =	vperm.xlane v2, v54;
	v31 =	vperm.xlane v2, v35;
	[tilespmem:s18+$0x1100] =	vst v3  }
0x121: {  	v36 =	vimm.s32 $0xD;
	v29 =	vperm.xlane v2, v46;
	v27 =	vperm.xlane v2, v45;
	v3 =	vld [tilespmem:$0x1FFB0]  }
0x122: {  	v37 =	vimm.s32 $0x5;
	v32 =	vperm.xlane v2, v20;
	v30 =	vperm.xlane v2, v62  }
0x123: {  	v34 =	vperm.xlane v2, v16;
	v6 =	vimm.s32 $0xE;
	v25 =	vperm.xlane v2, v44  }
0x124: {  	v59 =	vimm.s32 $0x3;
	v24 =	vperm.xlane v2, v6;
	v23 =	vperm.xlane v2, v47  }
0x125: {  	s19 =	sor.u32 $0x850, s1;
	v15 =	vsel vm0, $0x3F800000, v5;
	v0 =	vperm.xlane v18, v0;
	v2 =	vperm.xlane v18, v57  }
0x126: {  	v22 =	vimm.s32 $0x0;
	v62 =	vperm.xlane v18, v62;
	v57 =	vperm.xlane v18, v45;
	[tilespmem:s19+$0x1100] =	vst v3  }
0x127: {  	v53 =	vperm.xlane v18, v47;
	v63 =	vshll.u32 v55, v1;
	v12 =	vor.u32 v1, v12;
	v3 =	vld [tilespmem:$0x1FFC0]  }
0x128: {  	vm0 =	vlt.s32 v63, $0x0;
	v63 =	vimm.s32 $0x9;
	v61 =	vperm.xlane v18, v46  }
0x129: {  	v54 =	vperm.xlane v18, v6;
	v20 =	vimm.s32 $0x0;
	v17 =	vimm.s32 $0xF  }
0x12a: {  	v35 =	vimm.s32 $0x8;
	v21 =	vimm.s32 $0xE;
	v13 =	vshll.u32 v55, v4  }
0x12b: {  	s20 =	sor.u32 $0x860, s1;
	v55 =	vperm.xlane v18, v44;
	v18 =	vimm.s32 $0x2;
	v52 =	vperm.xlane v11, v22  }
0x12c: {  	v50 =	vperm.xlane v11, v9;
	v49 =	vperm.xlane v11, v59;
	v7 =	vimm.s32 $0xB;
	v6 =	vld.idx.msk [tilespmem:v12+s10+$0x0], $0xffff;
	[tilespmem:s20+$0x1100] =	vst v3  }
0x12d: {  	vm1 =	vlt.s32 v13, $0x0;
	v47 =	vperm.xlane v11, v37;
	v39 =	vperm.xlane v11, v7;
	v7 =	vld [tilespmem:$0x1FFE0]  }
0x12e: {  	v13 =	vsel vm0, $0x3F800000, v5;
	v46 =	vperm.xlane v11, v43;
	v44 =	vperm.xlane v11, v35  }
0x12f: {  	v22 =	vimm.s32 $0x1;
	v43 =	vperm.xlane v11, v63;
	v38 =	vperm.xlane v11, v38  }
0x130: {  	v59 =	vimm.s32 $0x3;
	v37 =	vperm.xlane v11, v36;
	v36 =	vperm.xlane v11, v21  }
0x131: {  	s21 =	sor.u32 $0x870, s1;
	v63 =	vimm.s32 $0xC;
	v35 =	vperm.xlane v11, v17;
	v21 =	vperm.xlane v6, v20  }
0x132: {  	v48 =	vperm.xlane v11, v16;
	vm0 =	vlt.s32 v14, $0x0;
	v14 =	vimm.s32 $0x7;
	v3 =	vld [tilespmem:$0x1FFD0];
	[tilespmem:s21+$0x1100] =	vst v7  }
0x133: {  	v10 =	vsel vm1, $0x3F800000, v5;
	v42 =	vperm.xlane v11, v19;
	v45 =	vperm.xlane v11, v14;
	v11 =	vld [tilespmem:$0x1FFF0]  }
0x134: {  	v12 =	vimm.s32 $0x8;
	v22 =	vperm.xlane v6, v22;
	v17 =	vperm.xlane v6, v16  }
0x135: {  	v60 =	vimm.s32 $0x5;
	v19 =	vperm.xlane v6, v18;
	v18 =	vperm.xlane v6, v59  }
0x136: {  	v16 =	vperm.xlane v6, v60;
	vm1 =	vlt.s32 v8, $0x0;
	v9 =	vsel vm0, $0x3F800000, v5  }
0x137: {  	s22 =	sor.u32 $0xC00, s1;
	v14 =	vperm.xlane v6, v14;
	v8 =	vshll.u32 v3, v1;
	v7 =	vsel vm1, $0x3F800000, v5  }
0x138: {  	s23 =	sor.u32 $0xC10, s1;
	vm1 =	vlt.s32 v8, $0x0;
	v8 =	vshll.u32 v3, v4;
	v3 =	vimm.s32 $0x6;
	[tilespmem:s22+$0x1100] =	vst v11  }
0x139: {  	s3 =	simm.s32 $0x1;
	p0 =	por !p0, !p0;
	s24 =	sor.u32 $0xC20, s1;
	vm0 =	vlt.s32 v8, $0x0;
	[tilespmem:s23+$0x1100] =	vst v15;
	v15 =	vperm.xlane v6, v3;
	v3 =	vimm.s32 $0x9  }
0x13a: {  	s2 =	simm.s32 $0x300;
	s3 =	simm.s32 @!p0 $0x0;
	[tilespmem:s24+$0x1100] =	vst v13;
	v13 =	vperm.xlane v6, v12;
	v12 =	vperm.xlane v6, v3;
	v3 =	vimm.s32 $0xA  }
0x13b: {  	s28 =	sand.u32 $0x3, s11;
	s29 =	sshll.u32 s3, $0x9;
	s25 =	sor.u32 $0xC30, s1;
	v20 =	vsel vm1, $0x3F800000, v5;
	v11 =	vperm.xlane v6, v3;
	v3 =	vimm.s32 $0xB  }
0x13c: {  	s3 =	simm.s32 $0x280;
	s26 =	sor.u32 $0xC40, s1;
	s6 =	sor.u32 $0xC50, s1;
	v8 =	vshll.u32 v21, v1;
	[tilespmem:s25+$0x1100] =	vst v10;
	v10 =	vperm.xlane v6, v3;
	v3 =	vimm.s32 $0xD  }
0x13d: {  	s7 =	sor.u32 $0xC60, s1;
	s8 =	sor.u32 $0xC70, s1;
	s15 =	simm.s32 $0x800;
	vm1 =	vlt.s32 v8, $0x0;
	[tilespmem:s26+$0x1100] =	vst v9;
	v8 =	vperm.xlane v6, v3;
	v3 =	vimm.s32 $0xE  }
0x13e: {  	s0 =	sshll.u32 s28, $0x8;
	s30 =	sand.u32 $0x3000, s15;
	s17 =	simm.s32 $0x380;
	v9 =	vperm.xlane v6, v63;
	[tilespmem:s6+$0x1100] =	vst v7;
	v7 =	vperm.xlane v6, v3;
	v3 =	vimm.s32 $0xF  }
0x13f: {  	s0 =	sadd.s32 $0x800, s0;
	s31 =	sand.u32 $0x380, s17;
	s20 =	sadd.s32 $0x1100, s30;
	[tilespmem:s7+$0x1100] =	vst v20;
	v20 =	vshll.u32 v21, v4;
	v21 =	vsel vm0, $0x3F800000, v5;
	v6 =	vperm.xlane v6, v3  }
0x140: {  	s1 =	simm.s32 $0x200;
	s0 =	sadd.s32 $0x100, s0;
	s9 =	sadd.s32 s31, s20;
	[tilespmem:s8+$0x1100] =	vst v21;
	vm2 =	vlt.s32 v20, $0x0;
	v20 =	vsel vm1, $0x3F800000, v5;
	v21 =	vshll.u32 v22, v1  }
0x141: {  	s16 =	simm.s32 $0x0;
	s18 =	simm.s32 $0x8;
	s19 =	sadd.s32 $0x800, s29;
	[tilespmem:s9+$0x0] =	vst v20;
	vm0 =	vlt.s32 v21, $0x0;
	v20 =	vsel vm2, $0x3F800000, v5;
	v21 =	vshll.u32 v22, v4  }
.LBB2_2:
0x142: {  	s6 =	sand.u32 $0x280, s3;
	s3 =	sor.u32 $0x810, s0  }
0x143: {  	s4 =	sor.u32 $0x830, s0;
	[dreg:$0x1f] =	wrdreg s3  }
0x144: {  	s5 =	sor.u32 $0x840, s0;
	[dreg:$0x1e] =	wrdreg s4  }
0x145: {  	s8 =	sor.u32 $0x850, s0;
	[dreg:$0x1c] =	wrdreg s5  }
0x146: {  	s12 =	sor.u32 $0x860, s0;
	[dreg:$0x1d] =	wrdreg s8  }
0x147: {  	s13 =	sor.u32 $0x870, s0;
	[dreg:$0x1b] =	wrdreg s12  }
0x148: {  	s14 =	sor.u32 $0xC00, s0;
	[dreg:$0x19] =	wrdreg s13  }
0x149: {  	s21 =	sor.u32 $0xC10, s0;
	[dreg:$0x1a] =	wrdreg s14  }
0x14a: {  	s22 =	sor.u32 $0xC20, s0;
	[dreg:$0x18] =	wrdreg s21  }
0x14b: {  	s23 =	sor.u32 $0xC30, s0;
	[dreg:$0x16] =	wrdreg s22  }
0x14c: {  	s24 =	sor.u32 $0xC40, s0;
	[dreg:$0x17] =	wrdreg s23  }
0x14d: {  	s25 =	sor.u32 $0xC50, s0;
	[dreg:$0x15] =	wrdreg s24  }
0x14e: {  	s26 =	sor.u32 $0x800, s19;
	[dreg:$0x13] =	wrdreg s25  }
0x14f: {  	s28 =	sor.u32 $0xC60, s0;
	[dreg:$0x10] =	wrdreg s26  }
0x150: {  	v1 =	vlaneseq.u32;
	s29 =	sor.u32 $0xC70, s0;
	[dreg:$0x14] =	wrdreg s28  }
0x151: {  	[tilespmem:s9+$0x10] =	vst v20;
	vm1 =	vlt.s32 v21, $0x0;
	v20 =	vsel vm0, $0x3F800000, v5;
	s30 =	sor.u32 $0x810, s19;
	v21 =	vshll.u32 v19, v1;
	[dreg:$0x12] =	wrdreg s29  }
0x152: {  	s31 =	sor.u32 $0x820, s19;
	[tilespmem:s9+$0x20] =	vst v20;
	v20 =	vsel vm1, $0x3F800000, v5;
	v19 =	vshll.u32 v19, v4;
	[dreg:$0x11] =	wrdreg s30;
	vm0 =	vlt.s32 v21, $0x0  }
0x153: {  	s7 =	sand.u32 $0x200, s1;
	s1 =	sor.u32 $0x830, s19;
	[dreg:$0xf] =	wrdreg s31;
	[tilespmem:s9+$0x30] =	vst v20;
	vm1 =	vlt.s32 v19, $0x0;
	v20 =	vshll.u32 v18, v1;
	v19 =	vsel vm0, $0x3F800000, v5  }
0x154: {  	[dreg:$0xd] =	wrdreg s1;
	s4 =	sor.u32 $0x840, s19;
	v18 =	vshll.u32 v18, v4;
	vm0 =	vlt.s32 v20, $0x0;
	[tilespmem:s9+$0x40] =	vst v19;
	v19 =	vsel vm1, $0x3F800000, v5  }
0x155: {  	s5 =	sor.u32 $0x850, s19;
	[dreg:$0xe] =	wrdreg s4;
	vm1 =	vlt.s32 v18, $0x0;
	v18 =	vsel vm0, $0x3F800000, v5;
	[tilespmem:s9+$0x50] =	vst v19;
	v19 =	vshll.u32 v17, v1  }
0x156: {  	s10 =	sand.u32 $0x300, s2;
	s8 =	sor.u32 $0x860, s19;
	[dreg:$0xc] =	wrdreg s5;
	[tilespmem:s9+$0x60] =	vst v18;
	v18 =	vsel vm1, $0x3F800000, v5;
	v17 =	vshll.u32 v17, v4;
	vm0 =	vlt.s32 v19, $0x0  }
0x157: {  	s2 =	sor.u32 $0x800, s0;
	s12 =	sor.u32 $0x870, s19;
	[dreg:$0x9] =	wrdreg s8;
	[tilespmem:s9+$0x70] =	vst v18;
	vm1 =	vlt.s32 v17, $0x0;
	v18 =	vshll.u32 v16, v1;
	v17 =	vsel vm0, $0x3F800000, v5  }
0x158: {  	s16 =	sadd.s32 $0x4, s16;
	s13 =	sor.u32 $0xC00, s19;
	[dreg:$0xb] =	wrdreg s12;
	v16 =	vshll.u32 v16, v4;
	vm0 =	vlt.s32 v18, $0x0;
	[tilespmem:s9+$0x400] =	vst v17;
	v17 =	vsel vm1, $0x3F800000, v5  }
0x159: {  	s3 =	sor.u32 $0x820, s0;
	s21 =	sor.u32 $0xC10, s19;
	[dreg:$0x7] =	wrdreg s13;
	vm1 =	vlt.s32 v16, $0x0;
	v16 =	vsel vm0, $0x3F800000, v5;
	[tilespmem:s9+$0x410] =	vst v17;
	v17 =	vshll.u32 v15, v1  }
0x15a: {  	s14 =	sand.u32 $0x7, s16;
	s22 =	sor.u32 $0xC20, s19;
	[dreg:$0xa] =	wrdreg s21;
	[tilespmem:s9+$0x420] =	vst v16;
	v16 =	vsel vm1, $0x3F800000, v5;
	v15 =	vshll.u32 v15, v4;
	vm0 =	vlt.s32 v17, $0x0  }
0x15b: {  	s23 =	sor.u32 $0xC30, s19;
	s24 =	sor.u32 $0xC40, s19;
	[dreg:$0x6] =	wrdreg s22;
	[tilespmem:s9+$0x430] =	vst v16;
	vm1 =	vlt.s32 v15, $0x0;
	v16 =	vshll.u32 v14, v1;
	v15 =	vsel vm0, $0x3F800000, v5  }
0x15c: {  	s25 =	sor.u32 $0xC50, s19;
	s0 =	sshll.u32 s14, $0x7;
	[dreg:$0x8] =	wrdreg s23;
	v14 =	vshll.u32 v14, v4;
	vm0 =	vlt.s32 v16, $0x0;
	[tilespmem:s9+$0x440] =	vst v15;
	v15 =	vsel vm1, $0x3F800000, v5  }
0x15d: {  	s26 =	sor.u32 $0xC60, s19;
	[dreg:$0x4] =	wrdreg s24;
	s5 =	sadd.s32 s15, s0;
	vm1 =	vlt.s32 v14, $0x0;
	v14 =	vsel vm0, $0x3F800000, v5;
	[tilespmem:s9+$0x450] =	vst v15;
	v15 =	vshll.u32 v13, v1  }
0x15e: {  	[dreg:$0x5] =	wrdreg s25;
	s0 =	sadd.s32 $0x80, s5;
	s5 =	sadd.s32 $0x180, s5;
	[tilespmem:s9+$0x460] =	vst v14;
	v14 =	vsel vm1, $0x3F800000, v5;
	v13 =	vshll.u32 v13, v4;
	vm0 =	vlt.s32 v15, $0x0  }
0x15f: {  	[dreg:$0x3] =	wrdreg s26;
	s8 =	sor.u32 $0x800, s0;
	s28 =	sor.u32 $0x800, s5;
	[tilespmem:s9+$0x470] =	vst v14;
	vm1 =	vlt.s32 v13, $0x0;
	v14 =	vshll.u32 v12, v1;
	v13 =	vsel vm0, $0x3F800000, v5  }
0x160: {  	s1 =	sor.u32 $0x810, s0;
	s13 =	sor.u32 $0x820, s0;
	s12 =	sor.u32 $0x810, s5;
	v12 =	vshll.u32 v12, v4;
	vm0 =	vlt.s32 v14, $0x0;
	[tilespmem:s28+$0x1100] =	vst v13;
	v13 =	vsel vm1, $0x3F800000, v5  }
0x161: {  	s21 =	sor.u32 $0x830, s0;
	s23 =	sor.u32 $0x850, s0;
	s14 =	sor.u32 $0x820, s5;
	vm1 =	vlt.s32 v12, $0x0;
	v12 =	vsel vm0, $0x3F800000, v5;
	[tilespmem:s12+$0x1100] =	vst v13;
	v13 =	vshll.u32 v11, v1  }
0x162: {  	s25 =	sor.u32 $0x870, s0;
	s29 =	sor.u32 $0x830, s5;
	s22 =	sor.u32 $0xC00, s0;
	v11 =	vshll.u32 v11, v4;
	[tilespmem:s14+$0x1100] =	vst v12;
	v12 =	vsel vm1, $0x3F800000, v5;
	vm0 =	vlt.s32 v13, $0x0  }
0x163: {  	s30 =	sor.u32 $0x840, s5;
	s24 =	sor.u32 $0xC20, s0;
	s31 =	sor.u32 $0xC30, s0;
	vm1 =	vlt.s32 v11, $0x0;
	[tilespmem:s29+$0x1100] =	vst v12;
	v11 =	vsel vm0, $0x3F800000, v5;
	v12 =	vshll.u32 v10, v1  }
0x164: {  	s4 =	sor.u32 $0x850, s5;
	s26 =	sor.u32 $0xC40, s0;
	s9 =	sor.u32 $0x840, s0;
	v10 =	vshll.u32 v10, v4;
	[tilespmem:s30+$0x1100] =	vst v11;
	v11 =	vsel vm1, $0x3F800000, v5;
	vm0 =	vlt.s32 v12, $0x0  }
0x165: {  	s28 =	sor.u32 $0xC10, s0;
	s12 =	sor.u32 $0x860, s0;
	vm1 =	vlt.s32 v10, $0x0;
	[tilespmem:s4+$0x1100] =	vst v11;
	v10 =	vsel vm0, $0x3F800000, v5;
	s4 =	sor.u32 $0x860, s5;
	v11 =	vshll.u32 v9, v1  }
0x166: {  	s14 =	sor.u32 $0xC70, s0;
	s29 =	sor.u32 $0xC60, s0;
	v9 =	vshll.u32 v9, v4;
	[tilespmem:s4+$0x1100] =	vst v10;
	v10 =	vsel vm1, $0x3F800000, v5;
	s4 =	sor.u32 $0x870, s5;
	vm0 =	vlt.s32 v11, $0x0  }
0x167: {  	s30 =	sor.u32 $0xC50, s0;
	s0 =	sor.u32 s7, s20;
	s7 =	sor.u32 $0xC00, s5;
	vm1 =	vlt.s32 v9, $0x0;
	[tilespmem:s4+$0x1100] =	vst v10;
	v9 =	vsel vm0, $0x3F800000, v5;
	v10 =	vshll.u32 v8, v1  }
0x168: {  	v8 =	vshll.u32 v8, v4;
	[tilespmem:s7+$0x1100] =	vst v9;
	v9 =	vsel vm1, $0x3F800000, v5;
	s7 =	sor.u32 $0xC10, s5;
	vm0 =	vlt.s32 v10, $0x0  }
0x169: {  	v3 =	vshll.u32 v0, v4;
	vm1 =	vlt.s32 v8, $0x0;
	[tilespmem:s7+$0x1100] =	vst v9;
	v8 =	vsel vm0, $0x3F800000, v5;
	s7 =	sor.u32 $0xC20, s5  }
0x16a: {  	v9 =	vshll.u32 v7, v1;
	v7 =	vshll.u32 v7, v4;
	[tilespmem:s7+$0x1100] =	vst v8;
	v8 =	vsel vm1, $0x3F800000, v5;
	s7 =	sor.u32 $0xC30, s5  }
0x16b: {  	vm0 =	vlt.s32 v9, $0x0;
	vm1 =	vlt.s32 v7, $0x0;
	[tilespmem:s7+$0x1100] =	vst v8;
	v8 =	vshll.u32 v6, v1  }
0x16c: {  	v7 =	vsel vm0, $0x3F800000, v5;
	s7 =	sor.u32 $0xC40, s5;
	vm0 =	vlt.s32 v8, $0x0;
	v8 =	vshll.u32 v0, v1;
	v0 =	vld [tilespmem:$0x1FF10]  }
0x16d: {  	v6 =	vshll.u32 v6, v4;
	[tilespmem:s7+$0x1100] =	vst v7;
	v7 =	vsel vm1, $0x3F800000, v5;
	s7 =	sor.u32 $0xC50, s5  }
0x16e: {  	vm1 =	vlt.s32 v6, $0x0;
	[tilespmem:s7+$0x1100] =	vst v7;
	v6 =	vsel vm0, $0x3F800000, v5;
	s7 =	sor.u32 $0xC60, s5;
	vm0 =	vlt.s32 v8, $0x0  }
0x16f: {  	s6 =	sor.u32 s6, s20;
	[tilespmem:s7+$0x1100] =	vst v6;
	v6 =	vsel vm1, $0x3F800000, v5;
	vm1 =	vlt.s32 v3, $0x0;
	v3 =	vsel vm0, $0x3F800000, v5  }
0x170: {  	v7 =	vshll.u32 v2, v1;
	[tilespmem:s6+$0x0] =	vst v3;
	v3 =	vsel vm1, $0x3F800000, v5  }
0x171: {  	v2 =	vshll.u32 v2, v4;
	vm0 =	vlt.s32 v7, $0x0;
	[tilespmem:s6+$0x10] =	vst v3;
	v3 =	vshll.u32 v0, v1  }
0x172: {  	vm1 =	vlt.s32 v2, $0x0;
	v2 =	vsel vm0, $0x3F800000, v5;
	vm0 =	vlt.s32 v3, $0x0;
	v3 =	vld [tilespmem:$0x1FF20];
	_ =	sdelay $0x3  }
0x173: {  	[tilespmem:s6+$0x20] =	vst v2;
	v2 =	vsel vm1, $0x3F800000, v5;
	v0 =	vshll.u32 v0, v4  }
0x174: {  	[tilespmem:s6+$0x30] =	vst v2;
	vm1 =	vlt.s32 v0, $0x0;
	v2 =	vshll.u32 v3, v1  }
0x175: {  	v0 =	vsel vm0, $0x3F800000, v5;
	vm0 =	vlt.s32 v2, $0x0;
	v2 =	vshll.u32 v3, v4;
	v3 =	vld [tilespmem:$0x1FF30];
	_ =	sdelay $0x4  }
0x176: {  	[tilespmem:s6+$0x40] =	vst v0;
	v0 =	vsel vm1, $0x3F800000, v5;
	vm1 =	vlt.s32 v2, $0x0;
	v2 =	vshll.u32 v3, v1  }
0x177: {  	[tilespmem:s6+$0x50] =	vst v0;
	v0 =	vsel vm0, $0x3F800000, v5;
	vm0 =	vlt.s32 v2, $0x0;
	v2 =	vshll.u32 v3, v4;
	v3 =	vld [tilespmem:$0x1FF40];
	_ =	sdelay $0x4  }
0x178: {  	[tilespmem:s6+$0x60] =	vst v0;
	v0 =	vsel vm1, $0x3F800000, v5;
	vm1 =	vlt.s32 v2, $0x0;
	v2 =	vshll.u32 v3, v1  }
0x179: {  	[tilespmem:s6+$0x70] =	vst v0;
	v0 =	vsel vm0, $0x3F800000, v5;
	vm0 =	vlt.s32 v2, $0x0;
	v2 =	vshll.u32 v3, v4;
	v3 =	vld [tilespmem:$0x1FF50];
	_ =	sdelay $0x4  }
0x17a: {  	[tilespmem:s6+$0x400] =	vst v0;
	v0 =	vsel vm1, $0x3F800000, v5;
	vm1 =	vlt.s32 v2, $0x0;
	v2 =	vshll.u32 v3, v1  }
0x17b: {  	[tilespmem:s6+$0x410] =	vst v0;
	v0 =	vsel vm0, $0x3F800000, v5;
	vm0 =	vlt.s32 v2, $0x0;
	v2 =	vshll.u32 v3, v4;
	v3 =	vld [tilespmem:$0x1FF60]  }
0x17c: {  	s7 =	sor.u32 $0xC70, s5  }
0x17d: {  	[tilespmem:s7+$0x1100] =	vst v6;
	v6 =	vld [tilespmem:$0x1FEE0];
	_ =	sdelay $0x1  }
0x17e: {  	[tilespmem:s6+$0x420] =	vst v0;
	v0 =	vsel vm1, $0x3F800000, v5  }
0x17f: {  	[tilespmem:s6+$0x430] =	vst v0;
	vm1 =	vlt.s32 v2, $0x0;
	v0 =	vsel vm0, $0x3F800000, v5;
	v2 =	vshll.u32 v3, v1  }
0x180: {  	[tilespmem:s6+$0x440] =	vst v0;
	v0 =	vsel vm1, $0x3F800000, v5;
	vm0 =	vlt.s32 v2, $0x0;
	v2 =	vshll.u32 v3, v4  }
0x181: {  	v3 =	vshll.u32 v6, v1;
	vm1 =	vlt.s32 v2, $0x0;
	v2 =	vshll.u32 v62, v1  }
0x182: {  	[tilespmem:s6+$0x450] =	vst v0;
	v0 =	vsel vm0, $0x3F800000, v5;
	vm0 =	vlt.s32 v2, $0x0;
	v2 =	vshll.u32 v62, v4  }
0x183: {  	[tilespmem:s6+$0x460] =	vst v0;
	v0 =	vsel vm1, $0x3F800000, v5;
	vm1 =	vlt.s32 v2, $0x0;
	v2 =	vshll.u32 v61, v1  }
0x184: {  	[tilespmem:s6+$0x470] =	vst v0;
	v0 =	vsel vm0, $0x3F800000, v5;
	vm0 =	vlt.s32 v2, $0x0;
	v2 =	vshll.u32 v61, v4  }
0x185: {  	[tilespmem:s8+$0x1100] =	vst v0;
	v0 =	vsel vm1, $0x3F800000, v5;
	vm1 =	vlt.s32 v2, $0x0;
	v2 =	vshll.u32 v58, v1  }
0x186: {  	[tilespmem:s1+$0x1100] =	vst v0;
	v0 =	vsel vm0, $0x3F800000, v5;
	vm0 =	vlt.s32 v2, $0x0;
	v2 =	vshll.u32 v58, v4  }
0x187: {  	[tilespmem:s13+$0x1100] =	vst v0;
	v0 =	vsel vm1, $0x3F800000, v5;
	vm1 =	vlt.s32 v2, $0x0;
	v2 =	vshll.u32 v57, v1  }
0x188: {  	[tilespmem:s21+$0x1100] =	vst v0;
	v0 =	vsel vm0, $0x3F800000, v5;
	vm0 =	vlt.s32 v2, $0x0;
	v2 =	vshll.u32 v57, v4  }
0x189: {  	[tilespmem:s9+$0x1100] =	vst v0;
	v0 =	vsel vm1, $0x3F800000, v5;
	vm1 =	vlt.s32 v2, $0x0;
	v2 =	vshll.u32 v56, v1  }
0x18a: {  	[tilespmem:s23+$0x1100] =	vst v0;
	v0 =	vsel vm0, $0x3F800000, v5;
	vm0 =	vlt.s32 v2, $0x0;
	v2 =	vshll.u32 v56, v4  }
0x18b: {  	[tilespmem:s12+$0x1100] =	vst v0;
	v0 =	vsel vm1, $0x3F800000, v5;
	vm1 =	vlt.s32 v2, $0x0;
	v2 =	vshll.u32 v55, v1  }
0x18c: {  	[tilespmem:s25+$0x1100] =	vst v0;
	v0 =	vsel vm0, $0x3F800000, v5;
	vm0 =	vlt.s32 v2, $0x0;
	v2 =	vshll.u32 v55, v4  }
0x18d: {  	[tilespmem:s22+$0x1100] =	vst v0;
	v0 =	vsel vm1, $0x3F800000, v5;
	vm1 =	vlt.s32 v2, $0x0;
	v2 =	vshll.u32 v54, v1  }
0x18e: {  	[tilespmem:s28+$0x1100] =	vst v0;
	v0 =	vsel vm0, $0x3F800000, v5;
	vm0 =	vlt.s32 v2, $0x0;
	v2 =	vshll.u32 v54, v4  }
0x18f: {  	[tilespmem:s24+$0x1100] =	vst v0;
	v0 =	vsel vm1, $0x3F800000, v5;
	vm1 =	vlt.s32 v2, $0x0;
	v2 =	vshll.u32 v53, v1  }
0x190: {  	[tilespmem:s31+$0x1100] =	vst v0;
	v0 =	vsel vm0, $0x3F800000, v5;
	vm0 =	vlt.s32 v2, $0x0;
	v2 =	vshll.u32 v53, v4  }
0x191: {  	[tilespmem:s26+$0x1100] =	vst v0;
	v0 =	vsel vm1, $0x3F800000, v5;
	vm1 =	vlt.s32 v2, $0x0;
	v2 =	vshll.u32 v52, v1  }
0x192: {  	[tilespmem:s30+$0x1100] =	vst v0;
	v0 =	vsel vm0, $0x3F800000, v5;
	vm0 =	vlt.s32 v2, $0x0;
	v2 =	vshll.u32 v52, v4  }
0x193: {  	[tilespmem:s29+$0x1100] =	vst v0;
	v0 =	vsel vm1, $0x3F800000, v5;
	vm1 =	vlt.s32 v2, $0x0;
	v2 =	vshll.u32 v51, v1  }
0x194: {  	s20 =	sadd.s32 s10, s20;
	[tilespmem:s14+$0x1100] =	vst v0;
	v0 =	vsel vm0, $0x3F800000, v5;
	vm0 =	vlt.s32 v2, $0x0;
	v2 =	vshll.u32 v51, v4  }
0x195: {  	[tilespmem:s20+$0x0] =	vst v0;
	v0 =	vsel vm1, $0x3F800000, v5;
	vm1 =	vlt.s32 v2, $0x0;
	v2 =	vshll.u32 v50, v1  }
0x196: {  	[tilespmem:s20+$0x10] =	vst v0;
	v0 =	vsel vm0, $0x3F800000, v5;
	vm0 =	vlt.s32 v2, $0x0;
	v2 =	vshll.u32 v50, v4  }
0x197: {  	[tilespmem:s20+$0x20] =	vst v0;
	v0 =	vsel vm1, $0x3F800000, v5;
	vm1 =	vlt.s32 v2, $0x0;
	v2 =	vshll.u32 v49, v1  }
0x198: {  	[tilespmem:s20+$0x30] =	vst v0;
	v0 =	vsel vm0, $0x3F800000, v5;
	vm0 =	vlt.s32 v2, $0x0;
	v2 =	vshll.u32 v49, v4  }
0x199: {  	[tilespmem:s20+$0x40] =	vst v0;
	v0 =	vsel vm1, $0x3F800000, v5;
	vm1 =	vlt.s32 v2, $0x0;
	v2 =	vshll.u32 v48, v1  }
0x19a: {  	[tilespmem:s20+$0x50] =	vst v0;
	v0 =	vsel vm0, $0x3F800000, v5;
	vm0 =	vlt.s32 v2, $0x0;
	v2 =	vshll.u32 v48, v4  }
0x19b: {  	[tilespmem:s20+$0x60] =	vst v0;
	v0 =	vsel vm1, $0x3F800000, v5;
	vm1 =	vlt.s32 v2, $0x0;
	v2 =	vshll.u32 v47, v1  }
0x19c: {  	[tilespmem:s20+$0x70] =	vst v0;
	v0 =	vsel vm0, $0x3F800000, v5;
	vm0 =	vlt.s32 v2, $0x0;
	v2 =	vshll.u32 v47, v4  }
0x19d: {  	[tilespmem:s20+$0x400] =	vst v0;
	v0 =	vsel vm1, $0x3F800000, v5;
	vm1 =	vlt.s32 v2, $0x0;
	v2 =	vshll.u32 v46, v1  }
0x19e: {  	[tilespmem:s20+$0x410] =	vst v0;
	v0 =	vsel vm0, $0x3F800000, v5;
	vm0 =	vlt.s32 v2, $0x0;
	v2 =	vshll.u32 v46, v4  }
0x19f: {  	[tilespmem:s20+$0x420] =	vst v0;
	v0 =	vsel vm1, $0x3F800000, v5;
	vm1 =	vlt.s32 v2, $0x0;
	v2 =	vshll.u32 v45, v1  }
0x1a0: {  	[tilespmem:s20+$0x430] =	vst v0;
	v0 =	vsel vm0, $0x3F800000, v5;
	vm0 =	vlt.s32 v2, $0x0;
	v2 =	vshll.u32 v45, v4  }
0x1a1: {  	[tilespmem:s20+$0x440] =	vst v0;
	v0 =	vsel vm1, $0x3F800000, v5;
	vm1 =	vlt.s32 v2, $0x0;
	v2 =	vshll.u32 v44, v1  }
0x1a2: {  	[tilespmem:s20+$0x450] =	vst v0;
	v0 =	vsel vm0, $0x3F800000, v5;
	vm0 =	vlt.s32 v2, $0x0;
	v2 =	vshll.u32 v44, v4  }
0x1a3: {  	[tilespmem:s20+$0x460] =	vst v0;
	v0 =	vsel vm1, $0x3F800000, v5;
	vm1 =	vlt.s32 v2, $0x0;
	v2 =	vshll.u32 v43, v1  }
0x1a4: {  	[tilespmem:s20+$0x470] =	vst v0;
	v0 =	vsel vm0, $0x3F800000, v5;
	vm0 =	vlt.s32 v2, $0x0;
	v2 =	vshll.u32 v43, v4  }
0x1a5: {  	s12 =	rddreg [dreg:$0x1f];
	[tilespmem:s2+$0x1100] =	vst v0;
	v0 =	vsel vm1, $0x3F800000, v5;
	vm1 =	vlt.s32 v2, $0x0;
	v2 =	vshll.u32 v42, v1  }
0x1a6: {  	[tilespmem:s12+$0x1100] =	vst v0;
	v0 =	vsel vm0, $0x3F800000, v5;
	vm0 =	vlt.s32 v2, $0x0;
	v2 =	vshll.u32 v42, v4  }
0x1a7: {  	s13 =	rddreg [dreg:$0x1e];
	[tilespmem:s3+$0x1100] =	vst v0;
	v0 =	vsel vm1, $0x3F800000, v5;
	vm1 =	vlt.s32 v2, $0x0;
	v2 =	vshll.u32 v39, v1  }
0x1a8: {  	s14 =	rddreg [dreg:$0x1c];
	[tilespmem:s13+$0x1100] =	vst v0;
	v0 =	vsel vm0, $0x3F800000, v5;
	vm0 =	vlt.s32 v2, $0x0;
	v2 =	vshll.u32 v39, v4  }
0x1a9: {  	s20 =	rddreg [dreg:$0x1d];
	[tilespmem:s14+$0x1100] =	vst v0;
	v0 =	vsel vm1, $0x3F800000, v5;
	vm1 =	vlt.s32 v2, $0x0;
	v2 =	vshll.u32 v38, v1  }
0x1aa: {  	s21 =	rddreg [dreg:$0x1b];
	[tilespmem:s20+$0x1100] =	vst v0;
	v0 =	vsel vm0, $0x3F800000, v5;
	vm0 =	vlt.s32 v2, $0x0;
	v2 =	vshll.u32 v38, v4  }
0x1ab: {  	s22 =	rddreg [dreg:$0x19];
	[tilespmem:s21+$0x1100] =	vst v0;
	v0 =	vsel vm1, $0x3F800000, v5;
	vm1 =	vlt.s32 v2, $0x0;
	v2 =	vshll.u32 v37, v1  }
0x1ac: {  	s23 =	rddreg [dreg:$0x1a];
	[tilespmem:s22+$0x1100] =	vst v0;
	v0 =	vsel vm0, $0x3F800000, v5;
	vm0 =	vlt.s32 v2, $0x0;
	v2 =	vshll.u32 v37, v4  }
0x1ad: {  	s24 =	rddreg [dreg:$0x18];
	[tilespmem:s23+$0x1100] =	vst v0;
	v0 =	vsel vm1, $0x3F800000, v5;
	vm1 =	vlt.s32 v2, $0x0;
	v2 =	vshll.u32 v36, v1  }
0x1ae: {  	s25 =	rddreg [dreg:$0x16];
	[tilespmem:s24+$0x1100] =	vst v0;
	v0 =	vsel vm0, $0x3F800000, v5;
	vm0 =	vlt.s32 v2, $0x0;
	v2 =	vshll.u32 v36, v4  }
0x1af: {  	s26 =	rddreg [dreg:$0x17];
	[tilespmem:s25+$0x1100] =	vst v0;
	v0 =	vsel vm1, $0x3F800000, v5;
	vm1 =	vlt.s32 v2, $0x0;
	v2 =	vshll.u32 v35, v1  }
0x1b0: {  	s28 =	rddreg [dreg:$0x15];
	[tilespmem:s26+$0x1100] =	vst v0;
	v0 =	vsel vm0, $0x3F800000, v5;
	vm0 =	vlt.s32 v2, $0x0;
	v2 =	vshll.u32 v35, v4  }
0x1b1: {  	[tilespmem:s28+$0x1100] =	vst v0;
	v0 =	vsel vm1, $0x3F800000, v5;
	vm1 =	vlt.s32 v2, $0x0;
	v2 =	vshll.u32 v6, v4;
	v6 =	vld [tilespmem:$0x1FEF0];
	_ =	sdelay $0x1  }
0x1b2: {  	s29 =	rddreg [dreg:$0x13]  }
0x1b3: {  	s30 =	rddreg [dreg:$0x14];
	[tilespmem:s29+$0x1100] =	vst v0;
	v0 =	vsel vm0, $0x3F800000, v5;
	vm0 =	vlt.s32 v3, $0x0  }
0x1b4: {  	[tilespmem:s30+$0x1100] =	vst v0;
	v0 =	vsel vm1, $0x3F800000, v5;
	vm1 =	vlt.s32 v2, $0x0;
	v2 =	vsel vm0, $0x3F800000, v5  }
0x1b5: {  	s31 =	rddreg [dreg:$0x12];
	[tilespmem:s0+$0x0] =	vst v2;
	v3 =	vshll.u32 v6, v1;
	v2 =	vshll.u32 v6, v4  }
0x1b6: {  	[tilespmem:s31+$0x1100] =	vst v0;
	v0 =	vsel vm1, $0x3F800000, v5;
	vm0 =	vlt.s32 v3, $0x0;
	vm1 =	vlt.s32 v2, $0x0  }
0x1b7: {  	[tilespmem:s0+$0x10] =	vst v0;
	v2 =	vshll.u32 v41, v1;
	v3 =	vmov s18;
	v0 =	vsel vm0, $0x3F800000, v5  }
0x1b8: {  	vm0 =	vlt.s32 v2, $0x0;
	v2 =	vshll.u32 v41, v4;
	[tilespmem:s0+$0x20] =	vst v0;
	v0 =	vsel vm1, $0x3F800000, v5  }
0x1b9: {  	vm1 =	vlt.s32 v2, $0x0;
	v2 =	vshll.u32 v40, v1;
	[tilespmem:s0+$0x30] =	vst v0;
	v0 =	vsel vm0, $0x3F800000, v5  }
0x1ba: {  	vm0 =	vlt.s32 v2, $0x0;
	v2 =	vshll.u32 v40, v4;
	[tilespmem:s0+$0x40] =	vst v0;
	v0 =	vsel vm1, $0x3F800000, v5  }
0x1bb: {  	vm1 =	vlt.s32 v2, $0x0;
	v2 =	vshll.u32 v34, v1;
	[tilespmem:s0+$0x50] =	vst v0;
	v0 =	vsel vm0, $0x3F800000, v5  }
0x1bc: {  	vm0 =	vlt.s32 v2, $0x0;
	v2 =	vshll.u32 v34, v4;
	[tilespmem:s0+$0x60] =	vst v0;
	v0 =	vsel vm1, $0x3F800000, v5  }
0x1bd: {  	vm1 =	vlt.s32 v2, $0x0;
	v2 =	vshll.u32 v33, v1;
	[tilespmem:s0+$0x70] =	vst v0;
	v0 =	vsel vm0, $0x3F800000, v5  }
0x1be: {  	vm0 =	vlt.s32 v2, $0x0;
	v2 =	vshll.u32 v33, v4;
	[tilespmem:s0+$0x400] =	vst v0;
	v0 =	vsel vm1, $0x3F800000, v5  }
0x1bf: {  	vm1 =	vlt.s32 v2, $0x0;
	v2 =	vshll.u32 v32, v1;
	[tilespmem:s0+$0x410] =	vst v0;
	v0 =	vsel vm0, $0x3F800000, v5  }
0x1c0: {  	vm0 =	vlt.s32 v2, $0x0;
	v2 =	vshll.u32 v32, v4;
	[tilespmem:s0+$0x420] =	vst v0;
	v0 =	vsel vm1, $0x3F800000, v5  }
0x1c1: {  	vm1 =	vlt.s32 v2, $0x0;
	v2 =	vshll.u32 v31, v1;
	[tilespmem:s0+$0x430] =	vst v0;
	v0 =	vsel vm0, $0x3F800000, v5  }
0x1c2: {  	vm0 =	vlt.s32 v2, $0x0;
	v2 =	vshll.u32 v31, v4;
	[tilespmem:s0+$0x440] =	vst v0;
	v0 =	vsel vm1, $0x3F800000, v5  }
0x1c3: {  	vm1 =	vlt.s32 v2, $0x0;
	v2 =	vshll.u32 v30, v1;
	[tilespmem:s0+$0x450] =	vst v0;
	v0 =	vsel vm0, $0x3F800000, v5  }
0x1c4: {  	vm0 =	vlt.s32 v2, $0x0;
	v2 =	vshll.u32 v30, v4;
	[tilespmem:s0+$0x460] =	vst v0;
	v0 =	vsel vm1, $0x3F800000, v5  }
0x1c5: {  	s1 =	rddreg [dreg:$0x10];
	vm1 =	vlt.s32 v2, $0x0;
	v2 =	vshll.u32 v29, v1;
	[tilespmem:s0+$0x470] =	vst v0;
	v0 =	vsel vm0, $0x3F800000, v5  }
0x1c6: {  	s2 =	rddreg [dreg:$0x11];
	vm0 =	vlt.s32 v2, $0x0;
	v2 =	vshll.u32 v29, v4;
	[tilespmem:s1+$0x1100] =	vst v0;
	v0 =	vsel vm1, $0x3F800000, v5  }
0x1c7: {  	s3 =	rddreg [dreg:$0xf];
	vm1 =	vlt.s32 v2, $0x0;
	v2 =	vshll.u32 v28, v1;
	[tilespmem:s2+$0x1100] =	vst v0;
	v0 =	vsel vm0, $0x3F800000, v5  }
0x1c8: {  	s4 =	rddreg [dreg:$0xd];
	vm0 =	vlt.s32 v2, $0x0;
	v2 =	vshll.u32 v28, v4;
	[tilespmem:s3+$0x1100] =	vst v0;
	v0 =	vsel vm1, $0x3F800000, v5  }
0x1c9: {  	s5 =	rddreg [dreg:$0xe];
	vm1 =	vlt.s32 v2, $0x0;
	v2 =	vshll.u32 v27, v1;
	[tilespmem:s4+$0x1100] =	vst v0;
	v0 =	vsel vm0, $0x3F800000, v5  }
0x1ca: {  	s6 =	rddreg [dreg:$0xc];
	vm0 =	vlt.s32 v2, $0x0;
	v2 =	vshll.u32 v27, v4;
	[tilespmem:s5+$0x1100] =	vst v0;
	v0 =	vsel vm1, $0x3F800000, v5  }
0x1cb: {  	s7 =	rddreg [dreg:$0x9];
	vm1 =	vlt.s32 v2, $0x0;
	v2 =	vshll.u32 v26, v1;
	[tilespmem:s6+$0x1100] =	vst v0;
	v0 =	vsel vm0, $0x3F800000, v5  }
0x1cc: {  	s8 =	rddreg [dreg:$0xb];
	vm0 =	vlt.s32 v2, $0x0;
	v2 =	vshll.u32 v26, v4;
	[tilespmem:s7+$0x1100] =	vst v0;
	v0 =	vsel vm1, $0x3F800000, v5  }
0x1cd: {  	s9 =	rddreg [dreg:$0x7];
	vm1 =	vlt.s32 v2, $0x0;
	v2 =	vshll.u32 v25, v1;
	[tilespmem:s8+$0x1100] =	vst v0;
	v0 =	vsel vm0, $0x3F800000, v5  }
0x1ce: {  	s12 =	rddreg [dreg:$0xa];
	vm0 =	vlt.s32 v2, $0x0;
	v2 =	vshll.u32 v25, v4;
	[tilespmem:s9+$0x1100] =	vst v0;
	v0 =	vsel vm1, $0x3F800000, v5  }
0x1cf: {  	s13 =	rddreg [dreg:$0x6];
	vm1 =	vlt.s32 v2, $0x0;
	v2 =	vshll.u32 v24, v1;
	[tilespmem:s12+$0x1100] =	vst v0;
	v0 =	vsel vm0, $0x3F800000, v5  }
0x1d0: {  	s14 =	rddreg [dreg:$0x8];
	vm0 =	vlt.s32 v2, $0x0;
	v2 =	vshll.u32 v24, v4;
	[tilespmem:s13+$0x1100] =	vst v0;
	v0 =	vsel vm1, $0x3F800000, v5  }
0x1d1: {  	s20 =	rddreg [dreg:$0x4];
	vm1 =	vlt.s32 v2, $0x0;
	v2 =	vshll.u32 v23, v1;
	[tilespmem:s14+$0x1100] =	vst v0;
	v0 =	vsel vm0, $0x3F800000, v5  }
0x1d2: {  	s21 =	rddreg [dreg:$0x5];
	vm0 =	vlt.s32 v2, $0x0;
	v2 =	vshll.u32 v23, v4;
	[tilespmem:s20+$0x1100] =	vst v0;
	v0 =	vsel vm1, $0x3F800000, v5  }
0x1d3: {  	s22 =	rddreg [dreg:$0x3];
	vm1 =	vlt.s32 v2, $0x0;
	[tilespmem:s21+$0x1100] =	vst v0;
	v0 =	vsel vm0, $0x3F800000, v5  }
0x1d4: {  	s19 =	sor.u32 $0xC70, s19;
	[tilespmem:s22+$0x1100] =	vst v0;
	v0 =	vsel vm1, $0x3F800000, v5  }
0x1d5: {  	s23 =	simm.s32 $0x0;
	[tilespmem:s19+$0x1100] =	vst v0  }
0x1d6: {  	v0 =	vld.idx.msk [tilespmem:v3+s23+$0x0], $0xffff;
	_ =	sdelay $0x2  }
0x1d7: {  	s24 =	sadd.s32 $0x1, s18  }
0x1d8: {  	v2 =	vmov s24  }
0x1d9: {  	v0 =	vshll.u32 v0, $0x4  }
0x1da: {  	v3 =	vshll.u32 v3, $0x7;
	v0 =	vand.u32 $0x70, v0  }
0x1db: {  	v0 =	vor.u32 v3, v0  }
0x1dc: {  	v0 =	vor.u32 v1, v0  }
0x1dd: {  	v3 =	vld.idx.msk [tilespmem:v2+s23+$0x0], $0xffff;
	_ =	sdelay $0x2  }
0x1de: {  	s10 =	simm.s32 $0x100;
	s25 =	sadd.s32 $0x2, s18  }
0x1df: {  	v6 =	vmov s25;
	v0 =	vld.idx.msk [tilespmem:v0+s10+$0x0], $0xffff  }
0x1e0: {  	v17 =	vimm.s32 $0x4;
	v16 =	vimm.s32 $0x0;
	v3 =	vshll.u32 v3, $0x4  }
0x1e1: {  	v15 =	vimm.s32 $0x1;
	v2 =	vshll.u32 v2, $0x7;
	v3 =	vand.u32 $0x70, v3  }
0x1e2: {  	v14 =	vimm.s32 $0x7;
	v13 =	vimm.s32 $0x2;
	v2 =	vor.u32 v2, v3  }
0x1e3: {  	v12 =	vimm.s32 $0x5;
	v11 =	vimm.s32 $0x6;
	s26 =	sadd.s32 $0x3, s18;
	v2 =	vor.u32 v1, v2  }
0x1e4: {  	v10 =	vimm.s32 $0x3;
	v7 =	vmov s26;
	v3 =	vld.idx.msk [tilespmem:v6+s23+$0x0], $0xffff;
	v8 =	vperm.xlane v0, v16  }
0x1e5: {  	v29 =	vimm.s32 $0xC;
	v28 =	vimm.s32 $0xB;
	v27 =	vimm.s32 $0xA  }
0x1e6: {  	v26 =	vimm.s32 $0x9;
	v25 =	vimm.s32 $0x8;
	[tilespmem:$0x1FEE0] =	vst v8;
	v8 =	vperm.xlane v0, v15  }
0x1e7: {  	v23 =	vimm.s32 $0xD;
	v59 =	vperm.xlane v0, v13;
	v63 =	vperm.xlane v0, v10  }
0x1e8: {  	v6 =	vshll.u32 v6, $0x7;
	v41 =	vperm.xlane v0, v17;
	v40 =	vperm.xlane v0, v12;
	[tilespmem:$0x1FEF0] =	vst v8;
	v8 =	vld.idx.msk [tilespmem:v2+s10+$0x0], $0xffff  }
0x1e9: {  	v60 =	vperm.xlane v0, v11;
	v9 =	vperm.xlane v0, v25;
	v2 =	vshll.u32 v3, $0x4  }
0x1ea: {  	v36 =	vperm.xlane v0, v26;
	v35 =	vperm.xlane v0, v27;
	v2 =	vand.u32 $0x70, v2  }
0x1eb: {  	v22 =	vperm.xlane v0, v28;
	v34 =	vperm.xlane v0, v29;
	v2 =	vor.u32 v6, v2  }
0x1ec: {  	v24 =	vimm.s32 $0xE;
	v33 =	vperm.xlane v0, v23;
	[tilespmem:$0x1FE00] =	vst v9;
	v6 =	vld.idx.msk [tilespmem:v7+s23+$0x0], $0xffff;
	v9 =	vor.u32 v1, v2  }
0x1ed: {  	v30 =	vimm.s32 $0xF;
	v32 =	vperm.xlane v0, v24;
	v18 =	vperm.xlane v8, v13  }
0x1ee: {  	v31 =	vperm.xlane v0, v30;
	v3 =	vperm.xlane v0, v14  }
0x1ef: {  	v0 =	vperm.xlane v8, v16;
	[tilespmem:$0x1FF10] =	vst v18;
	v18 =	vperm.xlane v8, v10  }
0x1f0: {  	v7 =	vshll.u32 v7, $0x7;
	v2 =	vperm.xlane v8, v15;
	v62 =	vperm.xlane v8, v25  }
0x1f1: {  	v61 =	vperm.xlane v8, v26;
	v6 =	vshll.u32 v6, $0x4;
	v9 =	vld.idx.msk [tilespmem:v9+s10+$0x0], $0xffff;
	[tilespmem:$0x1FF20] =	vst v18;
	v18 =	vperm.xlane v8, v17  }
0x1f2: {  	v58 =	vperm.xlane v8, v27;
	v57 =	vperm.xlane v8, v28;
	v6 =	vand.u32 $0x70, v6  }
0x1f3: {  	v56 =	vperm.xlane v8, v29;
	v6 =	vor.u32 v7, v6;
	[tilespmem:$0x1FF30] =	vst v18;
	v18 =	vperm.xlane v8, v12  }
0x1f4: {  	v55 =	vperm.xlane v8, v23;
	v54 =	vperm.xlane v8, v24;
	v6 =	vor.u32 v1, v6  }
0x1f5: {  	v53 =	vperm.xlane v8, v30;
	[tilespmem:$0x1FF40] =	vst v18;
	v18 =	vperm.xlane v8, v11  }
0x1f6: {  	v52 =	vperm.xlane v9, v16;
	v51 =	vperm.xlane v9, v15  }
0x1f7: {  	v50 =	vperm.xlane v9, v13;
	v49 =	vperm.xlane v9, v10  }
0x1f8: {  	v48 =	vperm.xlane v9, v17;
	v47 =	vperm.xlane v9, v12  }
0x1f9: {  	v46 =	vperm.xlane v9, v11;
	v45 =	vperm.xlane v9, v14;
	v6 =	vld.idx.msk [tilespmem:v6+s10+$0x0], $0xffff  }
0x1fa: {  	v44 =	vperm.xlane v9, v25;
	v43 =	vperm.xlane v9, v26  }
0x1fb: {  	v42 =	vperm.xlane v9, v27;
	v39 =	vperm.xlane v9, v28  }
0x1fc: {  	v38 =	vperm.xlane v9, v29;
	v37 =	vperm.xlane v9, v23  }
0x1fd: {  	v7 =	vperm.xlane v9, v30;
	[tilespmem:$0x1FF50] =	vst v18;
	v18 =	vperm.xlane v8, v14  }
0x1fe: {  	v8 =	vperm.xlane v9, v24;
	v20 =	vperm.xlane v6, v16  }
0x1ff: {  	v21 =	vperm.xlane v6, v15;
	v19 =	vperm.xlane v6, v13  }
0x200: {  	[tilespmem:$0x1FF60] =	vst v18;
	v18 =	vperm.xlane v6, v10;
	v17 =	vperm.xlane v6, v17  }
0x201: {  	p1 =	slt.u32 s18, $0x1C;
	s11 =	sadd.s32 $0x2, s11;
	v16 =	vperm.xlane v6, v12;
	v15 =	vperm.xlane v6, v11  }
0x202: {  	p0 =	por !p0, !p0;
	s17 =	sadd.s32 $0x200, s17;
	s15 =	sadd.s32 $0x800, s15;
	v14 =	vperm.xlane v6, v14;
	v13 =	vperm.xlane v6, v25;
	v25 =	vmovc v33;
	v33 =	vmov v40  }
0x203: {  	s28 =	sand.u32 $0x3, s11;
	s30 =	sand.u32 $0x3000, s15;
	s31 =	sand.u32 $0x380, s17;
	v40 =	vmovc v63;
	v12 =	vperm.xlane v6, v26;
	v26 =	vmovc v34;
	v11 =	vperm.xlane v6, v27;
	v27 =	vmov v22  }
.Ltmp0:
0x204: {  	s0 =	sshll.u32 s28, $0x8;
	s1 =	simm.s32 $0x1;
	v10 =	vperm.xlane v6, v28;
	v28 =	vmovc v35;
	v35 =	vmovc v7;
	v9 =	vperm.xlane v6, v29;
	v29 =	vmov v36;
	(pc) =	sbr.rel @p1 .LBB2_2-.Ltmp0, $4  }
0x205: {  	s18 =	sadd.s32 $0x4, s18;
	s0 =	sadd.s32 s15, s0;
	s1 =	simm.s32 @!p0 $0x0;
	v36 =	vmovc v8;
	v8 =	vperm.xlane v6, v23;
	v7 =	vperm.xlane v6, v24;
	v22 =	vshll.u32 v20, v1  }
0x206: {  	s2 =	sadd.s32 $0xFFFFFF80, s17;
	s0 =	sadd.s32 $0x100, s0;
	s20 =	sadd.s32 $0x1100, s30;
	v34 =	vmovc v41;
	v41 =	vmovc v59;
	v6 =	vperm.xlane v6, v30;
	v20 =	vshll.u32 v20, v4;
	vm0 =	vlt.s32 v22, $0x0  }
0x207: {  	s29 =	sshll.u32 s1, $0x9;
	s1 =	sadd.s32 $0xFFFFFE80, s17;
	s9 =	sadd.s32 s31, s20;
	v23 =	vmovc v31;
	v31 =	vmovc v3;
	vm1 =	vlt.s32 v20, $0x0;
	v22 =	vshll.u32 v21, v1;
	v20 =	vsel vm0, $0x3F800000, v5  }
0x208: {  	s3 =	sadd.s32 $0xFFFFFF00, s17;
	s7 =	simm.s32 $0x0;
	s19 =	sadd.s32 s29, s15;
	v24 =	vmovc v32;
	v32 =	vmovc v60;
	v30 =	vld [tilespmem:$0x1FE00];
	v21 =	vshll.u32 v21, v4;
	vm0 =	vlt.s32 v22, $0x0;
	[tilespmem:s9+$0x0] =	vst v20;
	v20 =	vsel vm1, $0x3F800000, v5  }
0x209: {  	v1 =	vlaneseq.u32  }
0x20a: {  	[tilespmem:s9+$0x10] =	vst v20;
	vm1 =	vlt.s32 v21, $0x0;
	v20 =	vsel vm0, $0x3F800000, v5;
	v21 =	vshll.u32 v19, v1  }
0x20b: {  	[tilespmem:s9+$0x20] =	vst v20;
	v20 =	vsel vm1, $0x3F800000, v5;
	v19 =	vshll.u32 v19, v4;
	vm12 =	vlt.s32 v21, $0x0  }
0x20c: {  	[tilespmem:s9+$0x30] =	vst v20;
	vm13 =	vlt.s32 v19, $0x0;
	v20 =	vshll.u32 v18, v1;
	v19 =	vsel vm12, $0x3F800000, v5  }
0x20d: {  	v18 =	vshll.u32 v18, v4;
	vm14 =	vlt.s32 v20, $0x0;
	[tilespmem:s9+$0x40] =	vst v19;
	v19 =	vsel vm13, $0x3F800000, v5  }
0x20e: {  	vm15 =	vlt.s32 v18, $0x0;
	v18 =	vsel vm14, $0x3F800000, v5;
	[tilespmem:s9+$0x50] =	vst v19;
	v19 =	vshll.u32 v17, v1  }
0x20f: {  	[tilespmem:s9+$0x60] =	vst v18;
	v18 =	vsel vm15, $0x3F800000, v5;
	v17 =	vshll.u32 v17, v4;
	vm4 =	vlt.s32 v19, $0x0  }
0x210: {  	[tilespmem:s9+$0x70] =	vst v18;
	vm5 =	vlt.s32 v17, $0x0;
	v18 =	vshll.u32 v16, v1;
	v17 =	vsel vm4, $0x3F800000, v5  }
0x211: {  	v16 =	vshll.u32 v16, v4;
	vm6 =	vlt.s32 v18, $0x0;
	[tilespmem:s9+$0x400] =	vst v17;
	v17 =	vsel vm5, $0x3F800000, v5  }
0x212: {  	vm7 =	vlt.s32 v16, $0x0;
	v16 =	vsel vm6, $0x3F800000, v5;
	[tilespmem:s9+$0x410] =	vst v17;
	v17 =	vshll.u32 v15, v1  }
0x213: {  	s4 =	sadd.s32 $0x4, s16;
	[tilespmem:s9+$0x420] =	vst v16;
	v16 =	vsel vm7, $0x3F800000, v5;
	v15 =	vshll.u32 v15, v4;
	vm8 =	vlt.s32 v17, $0x0  }
0x214: {  	s4 =	sand.u32 $0x7, s4;
	[tilespmem:s9+$0x430] =	vst v16;
	vm9 =	vlt.s32 v15, $0x0;
	v16 =	vshll.u32 v14, v1;
	v15 =	vsel vm8, $0x3F800000, v5  }
0x215: {  	s4 =	sshll.u32 s4, $0x7;
	v14 =	vshll.u32 v14, v4;
	vm10 =	vlt.s32 v16, $0x0;
	[tilespmem:s9+$0x440] =	vst v15;
	v15 =	vsel vm9, $0x3F800000, v5  }
0x216: {  	s4 =	sadd.s32 s15, s4;
	vm11 =	vlt.s32 v14, $0x0;
	v14 =	vsel vm10, $0x3F800000, v5;
	[tilespmem:s9+$0x450] =	vst v15;
	v15 =	vshll.u32 v13, v1  }
0x217: {  	s5 =	sadd.s32 $0x180, s4;
	[tilespmem:s9+$0x460] =	vst v14;
	v14 =	vsel vm11, $0x3F800000, v5;
	v13 =	vshll.u32 v13, v4;
	vm12 =	vlt.s32 v15, $0x0  }
0x218: {  	s6 =	sor.u32 $0x800, s5;
	[tilespmem:s9+$0x470] =	vst v14;
	vm13 =	vlt.s32 v13, $0x0;
	v14 =	vshll.u32 v12, v1;
	v13 =	vsel vm12, $0x3F800000, v5  }
0x219: {  	s9 =	sor.u32 $0x810, s5;
	v12 =	vshll.u32 v12, v4;
	vm14 =	vlt.s32 v14, $0x0;
	[tilespmem:s6+$0x1100] =	vst v13;
	v13 =	vsel vm13, $0x3F800000, v5  }
0x21a: {  	s11 =	sor.u32 $0x820, s5;
	vm15 =	vlt.s32 v12, $0x0;
	v12 =	vsel vm14, $0x3F800000, v5;
	[tilespmem:s9+$0x1100] =	vst v13;
	v13 =	vshll.u32 v11, v1  }
0x21b: {  	s12 =	sor.u32 $0x830, s5;
	v11 =	vshll.u32 v11, v4;
	[tilespmem:s11+$0x1100] =	vst v12;
	vm4 =	vlt.s32 v13, $0x0;
	v12 =	vsel vm15, $0x3F800000, v5  }
0x21c: {  	s13 =	sor.u32 $0x840, s5;
	vm5 =	vlt.s32 v11, $0x0;
	[tilespmem:s12+$0x1100] =	vst v12;
	v11 =	vsel vm4, $0x3F800000, v5;
	v12 =	vshll.u32 v10, v1  }
0x21d: {  	s14 =	sor.u32 $0x850, s5;
	v10 =	vshll.u32 v10, v4;
	[tilespmem:s13+$0x1100] =	vst v11;
	vm6 =	vlt.s32 v12, $0x0;
	v11 =	vsel vm5, $0x3F800000, v5  }
0x21e: {  	s15 =	sor.u32 $0x860, s5;
	vm7 =	vlt.s32 v10, $0x0;
	[tilespmem:s14+$0x1100] =	vst v11;
	v10 =	vsel vm6, $0x3F800000, v5;
	v11 =	vshll.u32 v9, v1  }
0x21f: {  	s16 =	sor.u32 $0x870, s5;
	v9 =	vshll.u32 v9, v4;
	[tilespmem:s15+$0x1100] =	vst v10;
	vm8 =	vlt.s32 v11, $0x0;
	v10 =	vsel vm7, $0x3F800000, v5  }
0x220: {  	s17 =	sor.u32 $0xC00, s5;
	vm9 =	vlt.s32 v9, $0x0;
	[tilespmem:s16+$0x1100] =	vst v10;
	v9 =	vsel vm8, $0x3F800000, v5;
	v10 =	vshll.u32 v8, v1  }
0x221: {  	s18 =	sor.u32 $0xC10, s5;
	v8 =	vshll.u32 v8, v4;
	[tilespmem:s17+$0x1100] =	vst v9;
	vm10 =	vlt.s32 v10, $0x0;
	v9 =	vsel vm9, $0x3F800000, v5  }
0x222: {  	s21 =	sor.u32 $0xC20, s5;
	vm11 =	vlt.s32 v8, $0x0;
	[tilespmem:s18+$0x1100] =	vst v9;
	v8 =	vsel vm10, $0x3F800000, v5;
	v9 =	vshll.u32 v7, v1  }
0x223: {  	s22 =	sor.u32 $0xC30, s5;
	v7 =	vshll.u32 v7, v4;
	[tilespmem:s21+$0x1100] =	vst v8;
	vm12 =	vlt.s32 v9, $0x0;
	v8 =	vsel vm11, $0x3F800000, v5  }
0x224: {  	s23 =	sor.u32 $0xC40, s5;
	vm13 =	vlt.s32 v7, $0x0;
	[tilespmem:s22+$0x1100] =	vst v8;
	v7 =	vsel vm12, $0x3F800000, v5;
	v8 =	vshll.u32 v6, v1  }
0x225: {  	s24 =	sor.u32 $0xC50, s5;
	v6 =	vshll.u32 v6, v4;
	[tilespmem:s23+$0x1100] =	vst v7;
	vm14 =	vlt.s32 v8, $0x0;
	v7 =	vsel vm13, $0x3F800000, v5  }
0x226: {  	s25 =	sor.u32 $0xC60, s5;
	vm15 =	vlt.s32 v6, $0x0;
	[tilespmem:s24+$0x1100] =	vst v7;
	v7 =	vshll.u32 v0, v1;
	v6 =	vsel vm14, $0x3F800000, v5  }
0x227: {  	s3 =	sand.u32 $0x280, s3;
	v3 =	vshll.u32 v0, v4;
	s5 =	sor.u32 $0xC70, s5;
	[tilespmem:s25+$0x1100] =	vst v6;
	vm4 =	vlt.s32 v7, $0x0;
	v6 =	vsel vm15, $0x3F800000, v5  }
0x228: {  	s26 =	sor.u32 s3, s20;
	vm5 =	vlt.s32 v3, $0x0;
	[tilespmem:s5+$0x1100] =	vst v6;
	v3 =	vsel vm4, $0x3F800000, v5  }
0x229: {  	[tilespmem:s26+$0x0] =	vst v3;
	v3 =	vsel vm5, $0x3F800000, v5  }
0x22a: {  	[tilespmem:s26+$0x10] =	vst v3  }
0x22b: {  	v60 =	vld [tilespmem:$0x1FF10]  }
0x22c: {  	v6 =	vshll.u32 v2, v1  }
0x22d: {  	v63 =	vshll.u32 v2, v4;
	vm6 =	vlt.s32 v6, $0x0  }
0x22e: {  	vm7 =	vlt.s32 v63, $0x0;
	v59 =	vsel vm6, $0x3F800000, v5  }
0x22f: {  	v63 =	vsel vm7, $0x3F800000, v5;
	[tilespmem:s26+$0x20] =	vst v59  }
0x230: {  	[tilespmem:s26+$0x30] =	vst v63;
	v3 =	vshll.u32 v60, v1  }
0x231: {  	vm8 =	vlt.s32 v3, $0x0;
	v3 =	vld [tilespmem:$0x1FF20]  }
0x232: {  	v0 =	vshll.u32 v60, v4  }
0x233: {  	vm9 =	vlt.s32 v0, $0x0;
	v59 =	vsel vm8, $0x3F800000, v5  }
0x234: {  	v63 =	vsel vm9, $0x3F800000, v5;
	[tilespmem:s26+$0x40] =	vst v59  }
0x235: {  	[tilespmem:s26+$0x50] =	vst v63  }
0x236: {  	v60 =	vshll.u32 v3, v1;
	v59 =	vshll.u32 v3, v4;
	v3 =	vld [tilespmem:$0x1FF30]  }
0x237: {  	vm10 =	vlt.s32 v60, $0x0  }
0x238: {  	vm11 =	vlt.s32 v59, $0x0;
	v60 =	vsel vm10, $0x3F800000, v5  }
0x239: {  	v59 =	vsel vm11, $0x3F800000, v5;
	[tilespmem:s26+$0x60] =	vst v60  }
0x23a: {  	[tilespmem:s26+$0x70] =	vst v59  }
0x23b: {  	v63 =	vshll.u32 v3, v1;
	v60 =	vshll.u32 v3, v4;
	v3 =	vld [tilespmem:$0x1FF40]  }
0x23c: {  	vm12 =	vlt.s32 v63, $0x0  }
0x23d: {  	vm13 =	vlt.s32 v60, $0x0;
	v63 =	vsel vm12, $0x3F800000, v5  }
0x23e: {  	v60 =	vsel vm13, $0x3F800000, v5;
	[tilespmem:s26+$0x400] =	vst v63  }
0x23f: {  	[tilespmem:s26+$0x410] =	vst v60  }
0x240: {  	v59 =	vshll.u32 v3, v1;
	v63 =	vshll.u32 v3, v4;
	v3 =	vld [tilespmem:$0x1FF50]  }
0x241: {  	vm14 =	vlt.s32 v59, $0x0  }
0x242: {  	vm15 =	vlt.s32 v63, $0x0;
	v59 =	vsel vm14, $0x3F800000, v5  }
0x243: {  	v63 =	vsel vm15, $0x3F800000, v5;
	[tilespmem:s26+$0x420] =	vst v59  }
0x244: {  	[tilespmem:s26+$0x430] =	vst v63  }
0x245: {  	v60 =	vshll.u32 v3, v1;
	v59 =	vshll.u32 v3, v4;
	v3 =	vld [tilespmem:$0x1FF60];
	_ =	sdelay $0x3  }
0x246: {  	vm4 =	vlt.s32 v60, $0x0  }
0x247: {  	vm5 =	vlt.s32 v59, $0x0;
	v60 =	vsel vm4, $0x3F800000, v5;
	v63 =	vshll.u32 v3, v1  }
0x248: {  	v59 =	vsel vm5, $0x3F800000, v5;
	[tilespmem:s26+$0x440] =	vst v60;
	v60 =	vshll.u32 v3, v4;
	vm6 =	vlt.s32 v63, $0x0  }
0x249: {  	[tilespmem:s26+$0x450] =	vst v59;
	vm7 =	vlt.s32 v60, $0x0;
	v63 =	vsel vm6, $0x3F800000, v5  }
0x24a: {  	v59 =	vshll.u32 v62, v1;
	v60 =	vsel vm7, $0x3F800000, v5;
	[tilespmem:s26+$0x460] =	vst v63  }
0x24b: {  	vm8 =	vlt.s32 v59, $0x0;
	v63 =	vshll.u32 v62, v4;
	[tilespmem:s26+$0x470] =	vst v60;
	v60 =	vshll.u32 v61, v1  }
0x24c: {  	s28 =	sadd.s32 $0x80, s4;
	v59 =	vsel vm8, $0x3F800000, v5;
	vm9 =	vlt.s32 v63, $0x0;
	vm10 =	vlt.s32 v60, $0x0  }
0x24d: {  	s4 =	sor.u32 $0x800, s28;
	v63 =	vshll.u32 v61, v4;
	v60 =	vshll.u32 v58, v1;
	v62 =	vsel vm9, $0x3F800000, v5  }
0x24e: {  	s29 =	sor.u32 $0x810, s28;
	[tilespmem:s4+$0x1100] =	vst v59;
	vm11 =	vlt.s32 v63, $0x0;
	v59 =	vsel vm10, $0x3F800000, v5;
	vm12 =	vlt.s32 v60, $0x0  }
0x24f: {  	s30 =	sor.u32 $0x820, s28;
	v60 =	vshll.u32 v57, v4;
	[tilespmem:s29+$0x1100] =	vst v62;
	v61 =	vsel vm11, $0x3F800000, v5;
	v62 =	vshll.u32 v58, v4  }
0x250: {  	s31 =	sor.u32 $0x830, s28;
	v63 =	vsel vm12, $0x3F800000, v5;
	v58 =	vshll.u32 v57, v1;
	vm15 =	vlt.s32 v60, $0x0;
	[tilespmem:s30+$0x1100] =	vst v59  }
0x251: {  	s5 =	sor.u32 $0x840, s28;
	v57 =	vshll.u32 v56, v4;
	vm13 =	vlt.s32 v62, $0x0;
	vm14 =	vlt.s32 v58, $0x0;
	[tilespmem:s31+$0x1100] =	vst v61  }
0x252: {  	s6 =	sor.u32 $0x850, s28;
	v62 =	vshll.u32 v56, v1;
	vm5 =	vlt.s32 v57, $0x0;
	v59 =	vsel vm13, $0x3F800000, v5;
	[tilespmem:s5+$0x1100] =	vst v63  }
0x253: {  	s8 =	sor.u32 $0x860, s28;
	v56 =	vshll.u32 v54, v4;
	v61 =	vsel vm14, $0x3F800000, v5;
	vm4 =	vlt.s32 v62, $0x0;
	[tilespmem:s6+$0x1100] =	vst v59  }
0x254: {  	s9 =	sor.u32 $0x870, s28;
	v60 =	vsel vm5, $0x3F800000, v5;
	vm9 =	vlt.s32 v56, $0x0;
	v63 =	vsel vm15, $0x3F800000, v5;
	[tilespmem:s8+$0x1100] =	vst v61  }
0x255: {  	s11 =	sor.u32 $0xC00, s28;
	v56 =	vshll.u32 v51, v4;
	v58 =	vsel vm4, $0x3F800000, v5;
	v59 =	vshll.u32 v55, v1;
	[tilespmem:s9+$0x1100] =	vst v63  }
0x256: {  	s12 =	sor.u32 $0xC10, s28;
	vm15 =	vlt.s32 v56, $0x0;
	vm6 =	vlt.s32 v59, $0x0;
	v61 =	vshll.u32 v55, v4;
	[tilespmem:s11+$0x1100] =	vst v58  }
0x257: {  	s13 =	sor.u32 $0xC20, s28;
	vm7 =	vlt.s32 v61, $0x0;
	v62 =	vsel vm6, $0x3F800000, v5;
	v63 =	vshll.u32 v54, v1;
	[tilespmem:s12+$0x1100] =	vst v60  }
0x258: {  	s14 =	sor.u32 $0xC30, s28;
	v59 =	vsel vm9, $0x3F800000, v5;
	vm8 =	vlt.s32 v63, $0x0;
	v55 =	vsel vm7, $0x3F800000, v5;
	[tilespmem:s13+$0x1100] =	vst v62  }
0x259: {  	s15 =	sor.u32 $0xC40, s28;
	v54 =	vshll.u32 v51, v1;
	v57 =	vsel vm8, $0x3F800000, v5;
	v62 =	vshll.u32 v52, v1;
	[tilespmem:s14+$0x1100] =	vst v55  }
0x25a: {  	s2 =	sand.u32 $0x300, s2;
	s16 =	sor.u32 $0xC50, s28;
	v58 =	vshll.u32 v53, v1;
	v52 =	vshll.u32 v52, v4;
	vm12 =	vlt.s32 v62, $0x0;
	[tilespmem:s15+$0x1100] =	vst v57  }
0x25b: {  	s2 =	sadd.s32 s2, s20;
	v60 =	vshll.u32 v53, v4;
	vm13 =	vlt.s32 v52, $0x0;
	v53 =	vsel vm12, $0x3F800000, v5;
	[tilespmem:s16+$0x1100] =	vst v59  }
0x25c: {  	vm14 =	vlt.s32 v54, $0x0;
	vm10 =	vlt.s32 v58, $0x0;
	v55 =	vsel vm13, $0x3F800000, v5;
	[tilespmem:s2+$0x0] =	vst v53  }
0x25d: {  	v58 =	vshll.u32 v50, v1;
	vm11 =	vlt.s32 v60, $0x0;
	v57 =	vsel vm14, $0x3F800000, v5;
	[tilespmem:s2+$0x10] =	vst v55  }
0x25e: {  	s17 =	sor.u32 $0xC60, s28;
	v61 =	vsel vm10, $0x3F800000, v5;
	v60 =	vshll.u32 v50, v4;
	v62 =	vshll.u32 v49, v1;
	[tilespmem:s2+$0x20] =	vst v57  }
0x25f: {  	v50 =	vshll.u32 v49, v4;
	vm6 =	vlt.s32 v62, $0x0;
	v59 =	vsel vm15, $0x3F800000, v5;
	[tilespmem:s17+$0x1100] =	vst v61  }
0x260: {  	vm7 =	vlt.s32 v50, $0x0;
	v52 =	vshll.u32 v48, v1;
	v51 =	vsel vm6, $0x3F800000, v5;
	[tilespmem:s2+$0x30] =	vst v59  }
0x261: {  	v54 =	vshll.u32 v48, v4;
	vm8 =	vlt.s32 v52, $0x0;
	v53 =	vsel vm7, $0x3F800000, v5;
	[tilespmem:s2+$0x60] =	vst v51  }
0x262: {  	v56 =	vshll.u32 v47, v1;
	vm9 =	vlt.s32 v54, $0x0;
	v55 =	vsel vm8, $0x3F800000, v5;
	[tilespmem:s2+$0x70] =	vst v53  }
0x263: {  	vm4 =	vlt.s32 v58, $0x0;
	vm10 =	vlt.s32 v56, $0x0;
	v57 =	vsel vm9, $0x3F800000, v5;
	[tilespmem:s2+$0x400] =	vst v55  }
0x264: {  	s3 =	sor.u32 $0xC70, s28;
	v58 =	vshll.u32 v47, v4;
	v63 =	vsel vm11, $0x3F800000, v5;
	vm5 =	vlt.s32 v60, $0x0;
	[tilespmem:s2+$0x410] =	vst v57  }
0x265: {  	v60 =	vshll.u32 v46, v1;
	v62 =	vshll.u32 v46, v4;
	v61 =	vsel vm4, $0x3F800000, v5;
	[tilespmem:s3+$0x1100] =	vst v63  }
0x266: {  	v46 =	vshll.u32 v45, v1;
	vm13 =	vlt.s32 v62, $0x0;
	v59 =	vsel vm10, $0x3F800000, v5;
	[tilespmem:s2+$0x40] =	vst v61  }
0x267: {  	v48 =	vshll.u32 v45, v4;
	vm14 =	vlt.s32 v46, $0x0;
	v47 =	vsel vm13, $0x3F800000, v5;
	[tilespmem:s2+$0x420] =	vst v59  }
0x268: {  	vm15 =	vlt.s32 v48, $0x0;
	v49 =	vsel vm14, $0x3F800000, v5;
	[tilespmem:s2+$0x450] =	vst v47  }
0x269: {  	v51 =	vsel vm15, $0x3F800000, v5;
	[tilespmem:s2+$0x460] =	vst v49  }
0x26a: {  	vm11 =	vlt.s32 v58, $0x0;
	v63 =	vsel vm5, $0x3F800000, v5;
	[tilespmem:s2+$0x470] =	vst v51  }
0x26b: {  	v50 =	vshll.u32 v44, v1;
	vm12 =	vlt.s32 v60, $0x0;
	v61 =	vsel vm11, $0x3F800000, v5;
	[tilespmem:s2+$0x50] =	vst v63  }
0x26c: {  	v52 =	vshll.u32 v44, v4;
	vm4 =	vlt.s32 v50, $0x0;
	[tilespmem:s2+$0x430] =	vst v61;
	v63 =	vsel vm12, $0x3F800000, v5  }
0x26d: {  	s18 =	sor.u32 $0x800, s0;
	v54 =	vshll.u32 v43, v1;
	vm5 =	vlt.s32 v52, $0x0;
	v53 =	vsel vm4, $0x3F800000, v5;
	[tilespmem:s2+$0x440] =	vst v63  }
0x26e: {  	s21 =	sor.u32 $0x810, s0;
	v56 =	vshll.u32 v43, v4;
	vm6 =	vlt.s32 v54, $0x0;
	v55 =	vsel vm5, $0x3F800000, v5;
	[tilespmem:s18+$0x1100] =	vst v53  }
0x26f: {  	s22 =	sor.u32 $0x820, s0;
	v58 =	vshll.u32 v42, v1;
	vm7 =	vlt.s32 v56, $0x0;
	v57 =	vsel vm6, $0x3F800000, v5;
	[tilespmem:s21+$0x1100] =	vst v55  }
0x270: {  	s23 =	sor.u32 $0x830, s0;
	v60 =	vshll.u32 v42, v4;
	vm8 =	vlt.s32 v58, $0x0;
	v59 =	vsel vm7, $0x3F800000, v5;
	[tilespmem:s22+$0x1100] =	vst v57  }
0x271: {  	s24 =	sor.u32 $0x840, s0;
	vm9 =	vlt.s32 v60, $0x0;
	v62 =	vshll.u32 v39, v1;
	v61 =	vsel vm8, $0x3F800000, v5;
	[tilespmem:s23+$0x1100] =	vst v59  }
0x272: {  	s25 =	sor.u32 $0x850, s0;
	v39 =	vshll.u32 v39, v4;
	vm10 =	vlt.s32 v62, $0x0;
	v63 =	vsel vm9, $0x3F800000, v5;
	[tilespmem:s24+$0x1100] =	vst v61  }
0x273: {  	s26 =	sor.u32 $0x860, s0;
	v43 =	vshll.u32 v38, v1;
	vm11 =	vlt.s32 v39, $0x0;
	v42 =	vsel vm10, $0x3F800000, v5;
	[tilespmem:s25+$0x1100] =	vst v63  }
0x274: {  	s28 =	sor.u32 $0x870, s0;
	v45 =	vshll.u32 v38, v4;
	vm12 =	vlt.s32 v43, $0x0;
	v44 =	vsel vm11, $0x3F800000, v5;
	[tilespmem:s26+$0x1100] =	vst v42  }
0x275: {  	s29 =	sor.u32 $0xC00, s0;
	vm13 =	vlt.s32 v45, $0x0;
	v47 =	vshll.u32 v37, v1;
	v46 =	vsel vm12, $0x3F800000, v5;
	[tilespmem:s28+$0x1100] =	vst v44  }
0x276: {  	s30 =	sor.u32 $0xC10, s0;
	v48 =	vsel vm13, $0x3F800000, v5;
	v49 =	vshll.u32 v37, v4;
	vm14 =	vlt.s32 v47, $0x0;
	[tilespmem:s29+$0x1100] =	vst v46  }
0x277: {  	s31 =	sor.u32 $0xC20, s0;
	v51 =	vshll.u32 v36, v1;
	vm15 =	vlt.s32 v49, $0x0;
	v50 =	vsel vm14, $0x3F800000, v5;
	[tilespmem:s30+$0x1100] =	vst v48  }
0x278: {  	s3 =	sor.u32 $0xC30, s0;
	vm4 =	vlt.s32 v51, $0x0;
	v52 =	vsel vm15, $0x3F800000, v5;
	v53 =	vshll.u32 v36, v4;
	[tilespmem:s31+$0x1100] =	vst v50  }
0x279: {  	s4 =	sor.u32 $0xC40, s0;
	v54 =	vsel vm4, $0x3F800000, v5;
	vm5 =	vlt.s32 v53, $0x0;
	[tilespmem:s3+$0x1100] =	vst v52  }
0x27a: {  	s5 =	sor.u32 $0xC50, s0;
	v56 =	vsel vm5, $0x3F800000, v5;
	[tilespmem:s4+$0x1100] =	vst v54  }
0x27b: {  	[tilespmem:s5+$0x1100] =	vst v56  }
0x27c: {  	v38 =	vshll.u32 v41, v1;
	v55 =	vshll.u32 v35, v1;
	v3 =	vld [tilespmem:$0x1FEE0]  }
0x27d: {  	vm12 =	vlt.s32 v38, $0x0;
	vm6 =	vlt.s32 v55, $0x0;
	v57 =	vshll.u32 v35, v4  }
0x27e: {  	s6 =	sor.u32 $0xC60, s0;
	vm7 =	vlt.s32 v57, $0x0;
	v59 =	vsel vm6, $0x3F800000, v5;
	v42 =	vshll.u32 v41, v4  }
0x27f: {  	s1 =	sand.u32 $0x200, s1;
	s8 =	sor.u32 $0xC70, s0;
	v61 =	vsel vm7, $0x3F800000, v5;
	vm13 =	vlt.s32 v42, $0x0;
	v44 =	vshll.u32 v40, v1;
	[tilespmem:s6+$0x1100] =	vst v59  }
0x280: {  	s9 =	sor.u32 s1, s20;
	v43 =	vsel vm12, $0x3F800000, v5;
	vm14 =	vlt.s32 v44, $0x0;
	v45 =	vsel vm13, $0x3F800000, v5;
	[tilespmem:s8+$0x1100] =	vst v61  }
0x281: {  	v46 =	vshll.u32 v40, v4;
	v58 =	vshll.u32 v3, v1;
	v60 =	vshll.u32 v3, v4;
	v3 =	vld [tilespmem:$0x1FEF0];
	[tilespmem:s9+$0x40] =	vst v43  }
0x282: {  	vm15 =	vlt.s32 v46, $0x0;
	v47 =	vsel vm14, $0x3F800000, v5;
	v48 =	vshll.u32 v34, v1;
	[tilespmem:s9+$0x50] =	vst v45  }
0x283: {  	vm4 =	vlt.s32 v48, $0x0;
	v49 =	vsel vm15, $0x3F800000, v5;
	v50 =	vshll.u32 v34, v4;
	[tilespmem:s9+$0x60] =	vst v47  }
0x284: {  	vm5 =	vlt.s32 v50, $0x0;
	v51 =	vsel vm4, $0x3F800000, v5;
	v52 =	vshll.u32 v33, v1;
	[tilespmem:s9+$0x70] =	vst v49  }
0x285: {  	vm6 =	vlt.s32 v52, $0x0;
	v53 =	vsel vm5, $0x3F800000, v5;
	v54 =	vshll.u32 v33, v4;
	[tilespmem:s9+$0x400] =	vst v51  }
0x286: {  	vm7 =	vlt.s32 v54, $0x0;
	v55 =	vsel vm6, $0x3F800000, v5;
	[tilespmem:s9+$0x410] =	vst v53  }
0x287: {  	v57 =	vsel vm7, $0x3F800000, v5;
	[tilespmem:s9+$0x420] =	vst v55;
	vm8 =	vlt.s32 v58, $0x0  }
0x288: {  	v56 =	vshll.u32 v32, v1;
	[tilespmem:s9+$0x430] =	vst v57;
	vm9 =	vlt.s32 v60, $0x0;
	v62 =	vsel vm8, $0x3F800000, v5  }
0x289: {  	v58 =	vshll.u32 v32, v4;
	v35 =	vsel vm9, $0x3F800000, v5;
	vm8 =	vlt.s32 v56, $0x0;
	[tilespmem:s9+$0x0] =	vst v62  }
0x28a: {  	vm9 =	vlt.s32 v58, $0x0;
	[tilespmem:s9+$0x10] =	vst v35;
	v59 =	vsel vm8, $0x3F800000, v5;
	v63 =	vshll.u32 v3, v1  }
0x28b: {  	v61 =	vsel vm9, $0x3F800000, v5;
	[tilespmem:s9+$0x440] =	vst v59;
	v36 =	vshll.u32 v3, v4;
	vm10 =	vlt.s32 v63, $0x0  }
0x28c: {  	v60 =	vshll.u32 v31, v1;
	[tilespmem:s9+$0x450] =	vst v61;
	vm11 =	vlt.s32 v36, $0x0;
	v37 =	vsel vm10, $0x3F800000, v5  }
0x28d: {  	v62 =	vshll.u32 v31, v4;
	v39 =	vsel vm11, $0x3F800000, v5;
	vm10 =	vlt.s32 v60, $0x0;
	[tilespmem:s9+$0x20] =	vst v37  }
0x28e: {  	v31 =	vshll.u32 v30, v1;
	vm11 =	vlt.s32 v62, $0x0;
	[tilespmem:s9+$0x30] =	vst v39;
	v63 =	vsel vm10, $0x3F800000, v5  }
0x28f: {  	v33 =	vshll.u32 v30, v4;
	vm12 =	vlt.s32 v31, $0x0;
	v32 =	vsel vm11, $0x3F800000, v5;
	[tilespmem:s9+$0x460] =	vst v63  }
0x290: {  	s11 =	sor.u32 $0x800, s19;
	vm13 =	vlt.s32 v33, $0x0;
	v35 =	vshll.u32 v29, v1;
	v34 =	vsel vm12, $0x3F800000, v5;
	[tilespmem:s9+$0x470] =	vst v32  }
0x291: {  	s12 =	sor.u32 $0x810, s19;
	vm14 =	vlt.s32 v35, $0x0;
	v36 =	vsel vm13, $0x3F800000, v5;
	v37 =	vshll.u32 v29, v4;
	[tilespmem:s11+$0x1100] =	vst v34  }
0x292: {  	s13 =	sor.u32 $0x820, s19;
	v38 =	vsel vm14, $0x3F800000, v5;
	v39 =	vshll.u32 v28, v1;
	vm15 =	vlt.s32 v37, $0x0;
	[tilespmem:s12+$0x1100] =	vst v36  }
0x293: {  	s14 =	sor.u32 $0x830, s19;
	v41 =	vshll.u32 v28, v4;
	vm4 =	vlt.s32 v39, $0x0;
	v40 =	vsel vm15, $0x3F800000, v5;
	[tilespmem:s13+$0x1100] =	vst v38  }
0x294: {  	s15 =	sor.u32 $0x840, s19;
	vm5 =	vlt.s32 v41, $0x0;
	v43 =	vshll.u32 v27, v1;
	v42 =	vsel vm4, $0x3F800000, v5;
	[tilespmem:s14+$0x1100] =	vst v40  }
0x295: {  	s16 =	sor.u32 $0x850, s19;
	v44 =	vsel vm5, $0x3F800000, v5;
	v45 =	vshll.u32 v27, v4;
	vm6 =	vlt.s32 v43, $0x0;
	[tilespmem:s15+$0x1100] =	vst v42  }
0x296: {  	s17 =	sor.u32 $0x860, s19;
	v47 =	vshll.u32 v26, v1;
	vm7 =	vlt.s32 v45, $0x0;
	v46 =	vsel vm6, $0x3F800000, v5;
	[tilespmem:s16+$0x1100] =	vst v44  }
0x297: {  	s18 =	sor.u32 $0x870, s19;
	v49 =	vshll.u32 v26, v4;
	v48 =	vsel vm7, $0x3F800000, v5;
	vm8 =	vlt.s32 v47, $0x0;
	[tilespmem:s17+$0x1100] =	vst v46  }
0x298: {  	s20 =	sor.u32 $0xC00, s19;
	v51 =	vshll.u32 v25, v1;
	vm9 =	vlt.s32 v49, $0x0;
	v50 =	vsel vm8, $0x3F800000, v5;
	[tilespmem:s18+$0x1100] =	vst v48  }
0x299: {  	s21 =	sor.u32 $0xC10, s19;
	v53 =	vshll.u32 v25, v4;
	v52 =	vsel vm9, $0x3F800000, v5;
	vm10 =	vlt.s32 v51, $0x0;
	[tilespmem:s20+$0x1100] =	vst v50  }
0x29a: {  	s22 =	sor.u32 $0xC20, s19;
	v55 =	vshll.u32 v24, v1;
	vm11 =	vlt.s32 v53, $0x0;
	v54 =	vsel vm10, $0x3F800000, v5;
	[tilespmem:s21+$0x1100] =	vst v52  }
0x29b: {  	s23 =	sor.u32 $0xC30, s19;
	v57 =	vshll.u32 v24, v4;
	vm12 =	vlt.s32 v55, $0x0;
	v56 =	vsel vm11, $0x3F800000, v5;
	[tilespmem:s22+$0x1100] =	vst v54  }
0x29c: {  	s24 =	sor.u32 $0xC40, s19;
	v59 =	vshll.u32 v23, v1;
	vm13 =	vlt.s32 v57, $0x0;
	v58 =	vsel vm12, $0x3F800000, v5;
	[tilespmem:s23+$0x1100] =	vst v56  }
0x29d: {  	s25 =	sor.u32 $0xC50, s19;
	v61 =	vshll.u32 v23, v4;
	vm14 =	vlt.s32 v59, $0x0;
	v60 =	vsel vm13, $0x3F800000, v5;
	[tilespmem:s24+$0x1100] =	vst v58  }
0x29e: {  	s26 =	sor.u32 $0xC60, s19;
	v62 =	vsel vm14, $0x3F800000, v5;
	vm15 =	vlt.s32 v61, $0x0;
	[tilespmem:s25+$0x1100] =	vst v60  }
0x29f: {  	s28 =	sor.u32 $0xC70, s19;
	v63 =	vsel vm15, $0x3F800000, v5;
	[tilespmem:s26+$0x1100] =	vst v62  }
0x2a0: {  	[tilespmem:s28+$0x1100] =	vst v63  }
0x2a1: {  	s0 =	sld [smem:$0x7FC];
	_ =	sdelay $0x1  }
0x2a2: {  	s1 =	simm.s32 $0x2;
	s29 =	simm.s32 $0x1100  }
0x2a3: {  	[hbm4b:s0+s7] =	stream.linear.scatter [tilespmem:s29], [sflag:$0x2], $0x4000, $0x38;
	[tilespmem:$0x5100] =	vst v63  }
0x2a4: {  	_ =	swait.ge [sflag:s1], $0x4000  }
0x2a5: {  	s30 =	sld [smem:$0x7FA]  }
0x2a6: {  	s31 =	sld [smem:$0x7FD];
	_ =	sdelay $0x1  }
0x2a7: {  	s2 =	sadd.s32 $0x1, s30  }
0x2a8: {  	p0 =	sne.s32 s2, s31  }
.Ltmp1:
0x2a9: {  	v21 =	vimm.s32 $0xE;
	v20 =	vimm.s32 $0xD;
	v19 =	vimm.s32 $0xC;
	(pc) =	sbr.rel @p0 .LBB2_1-.Ltmp1, $4  }
0x2aa: {  	v18 =	vimm.s32 $0xB;
	v17 =	vimm.s32 $0xA;
	v16 =	vimm.s32 $0x9  }
0x2ab: {  	v15 =	vimm.s32 $0x8;
	v14 =	vimm.s32 $0x6;
	v13 =	vimm.s32 $0x5  }
0x2ac: {  	v12 =	vimm.s32 $0x3;
	v11 =	vimm.s32 $0x2;
	v10 =	vimm.s32 $0x1;
	[sflag:s1] =	ssyncset.done $0x0  }
0x2ad: {  	v9 =	vimm.s32 $0x0;
	v8 =	vimm.s32 $0x7;
	v23 =	vimm.s32 $0xF;
	[sflag:s1] =	ssyncadd.s32 $0xFFFFC000  }
0x2ae: {  	_ =	sfence.sel $0x180000  }
0x2af: {  	[bflag:$0x0] =	sbarrier.arrive $0xFFFF  }
0x2b0: {  	_ =	strace $0x90000047  }
0x2b1: {  	s0 =	stileid.u32;
	[bflag:$0x2] =	sbarrier.arrive $0xFFFF  }
0x2b2: {  	p0 =	sne.s32 s0, $0x0;
	s0 =	rddreg [dreg:$0x2]  }
0x2b3: {  	s0 =	sadd.s32 @!p0 $0x100000, s0  }
0x2b4: {  	[sflag:s0] =	ssyncadd.tile.s32 @!p0 $0x1;
	_ =	shalt  }
.Lfunc_end2:
_tile_overlayer_lowered:
.L_overlay_start_2:
0x2b5: {  	(tag) =	ssettag $0x2  }
0x2b6: {  	s0 =	rddreg [dreg:$0x0];
	s2 =	stileid.u32  }
0x2b7: {  	s1 =	rddreg [dreg:$0x1];
	p0 =	sne.s32 s2, $0x0  }
0x2b8: {  	s3 =	rddreg [dreg:$0x2];
	[bflag:$0x3] =	sbarrier.arrive $0xFFFF;
	s2 =	simm.s32 @!p0 $0x1C02  }
0x2b9: {  	[timem:s3], [sflag:s2] =	dma.local @!p0 [hbm:s0], s1  }
0x2ba: {  	s0 =	simm.s32 @!p0 $0x2  }
0x2bb: {  	_ =	swait.ge @!p0 [sflag:s0], s1  }
0x2bc: {  	s1 =	ssub.s32 @!p0 $0x0, s1;
	[sflag:s0] =	ssyncset.done @!p0 $0x0  }
0x2bd: {  	[sflag:s0] =	ssyncadd.s32 @!p0 s1  }
0x2be: {  	[bflag:$0x3] =	sbarrier.arrive $0xFFFF  }
0x2bf: {  	_ =	shalt  }

</sc_bundles>
